<compile_context>
chip_gen: v7x
topology: tpu7x:2x2x1
jax: 0.10.2.dev20260603
libtpu: 0.0.44.dev20260713+nightly
codegen_flags: <defaults>
</compile_context>

<pallas_src>
import jax
import jax.numpy as jnp
from jax import lax
from jax.experimental import pallas as pl
from jax.experimental.pallas import tpu as pltpu
from jax.experimental.pallas import tpu_sc as plsc

N_CLASSES = 1000
CTX_LEN = 77
D_MODEL = 512

NC, NS = 2, 16
NW = NC * NS
B = N_CLASSES * CTX_LEN
K = 112
NFULL = 21
KT = 56
WPR = NFULL * K + KT


def _gather_body(table_hbm, idx_hbm, out_hbm, idx_v, buf0, buf1, sem0, sem1,
                 osem):
    c = lax.axis_index("c")
    s = lax.axis_index("s")
    wid = s * NC + c
    base = pl.multiple_of(jnp.minimum(wid * WPR, B - WPR), 8)
    bufs = (buf0, buf1)
    sems = (sem0, sem1)

    pltpu.sync_copy(idx_hbm.at[pl.ds(base, K)], idx_v.at[pl.ds(0, K)])
    pltpu.async_copy(table_hbm.at[idx_v.at[pl.ds(0, K)]], bufs[0], sems[0])
    pltpu.sync_copy(idx_hbm.at[pl.ds(base + K, WPR - K)],
                    idx_v.at[pl.ds(K, WPR - K)])

    def body(i, carry):
        slot = lax.rem(i, 2)
        for b in range(2):
            @pl.when(slot == b)
            def _(b=b):
                pltpu.make_async_copy(table_hbm.at[idx_v.at[pl.ds(0, K)]],
                                      bufs[b], sems[b]).wait()

                @pl.when(i + 1 < NFULL)
                def _():
                    off = (i + 1) * K
                    pltpu.async_copy(table_hbm.at[idx_v.at[pl.ds(off, K)]],
                                     bufs[1 - b], sems[1 - b])

                @pl.when(i + 1 == NFULL)
                def _():
                    pltpu.async_copy(
                        table_hbm.at[idx_v.at[pl.ds(NFULL * K, KT)]],
                        bufs[1 - b].at[pl.ds(0, KT)], sems[1 - b])

                pltpu.async_copy(bufs[b], out_hbm.at[pl.ds(base + i * K, K)],
                                 osem).wait()
        return carry

    lax.fori_loop(0, NFULL, body, 0)

    bt = NFULL % 2
    pltpu.make_async_copy(table_hbm.at[idx_v.at[pl.ds(0, KT)]],
                          bufs[bt].at[pl.ds(0, KT)], sems[bt]).wait()
    pltpu.async_copy(bufs[bt].at[pl.ds(0, KT)],
                     out_hbm.at[pl.ds(base + NFULL * K, KT)], osem).wait()


def _sc_gather(table, idx_pad):
    mesh = plsc.VectorSubcoreMesh(core_axis_name="c", subcore_axis_name="s")
    f = pl.kernel(
        _gather_body,
        out_type=jax.ShapeDtypeStruct((B, D_MODEL), jnp.float32),
        mesh=mesh,
        scratch_types=[
            pltpu.VMEM((WPR,), jnp.int32),
            pltpu.VMEM((K, D_MODEL), jnp.float32),
            pltpu.VMEM((K, D_MODEL), jnp.float32),
            pltpu.SemaphoreType.DMA,
            pltpu.SemaphoreType.DMA,
            pltpu.SemaphoreType.DMA,
        ],
        name="sc_embedding_gather",
    )
    return f(table, idx_pad)


def _argmax_body(ids_ref, out_ref):
    ids = ids_ref[...]
    iota = lax.broadcasted_iota(jnp.int32, ids.shape, 0)
    m = jnp.max(ids, axis=0, keepdims=True)
    cand = jnp.where(ids == m, iota, CTX_LEN)
    out_ref[...] = jnp.min(cand, axis=0, keepdims=True)


def _tc_argmax(prompt_t):
    return pl.pallas_call(
        _argmax_body,
        out_shape=jax.ShapeDtypeStruct((1, N_CLASSES), jnp.int32),
    )(prompt_t)


def kernel(prompt, table):
    prompt_t = jnp.swapaxes(prompt, 0, 1)
    idx = prompt_t.reshape(-1)
    rows = _sc_gather(table, idx)
    embedding = jnp.swapaxes(rows.reshape(CTX_LEN, N_CLASSES, D_MODEL), 0, 1)
    eos = _tc_argmax(prompt_t).reshape(N_CLASSES)
    return (embedding, eos)

# --- scband reference (transcript-rebuilt; emitter-appended) ---
"""Pipeline reference for scband-prompt-embedding-18597208391738 (READ-ONLY COPY).

The authoritative reference and input builder live on the scoring server;
editing this copy changes nothing except your own understanding.
"""

import jax, jax.numpy as jnp
import numpy as np

N_CLASSES = 1000
CTX_LEN = 77
VOCAB = 49408
D_MODEL = 512


def setup_inputs(seed: int = 0) -> dict:
    key = jax.random.key(seed)
    k1, k2 = jax.random.split(key)
    # prompt token ids (tokenizer output abstracted as precomputed int ids).
    prompt = jax.random.randint(k1, (N_CLASSES, CTX_LEN), 0, VOCAB, dtype=jnp.int32)
    # ensure an EOT-like max token exists somewhere so argmax is meaningful (CLIP eot id = 49407)
    prompt = prompt.at[:, CTX_LEN - 1].set(VOCAB - 1)
    # token embedding table (the nn.Embedding weight of token_embedding)
    table = jax.random.normal(k2, (VOCAB, D_MODEL), dtype=jnp.float32) * 0.02
    return {"prompt": prompt, "table": table}


def reference(prompt, table):
    # forward_fixed path (use_CoOP=False): tokenize -> token_embedding(prompt), eos = argmax(token ids)
    embedding = jnp.take(table, prompt, axis=0)           # [n_classes, ctx_len, d_model]
    eos_position = jnp.argmax(prompt, axis=-1)            # [n_classes]
    return (embedding, eos_position)

if __name__ == "__main__":
    import jax
    _d = setup_inputs()
    print(jax.jit(kernel)(*tuple(_d.values())))

</pallas_src>

<mosaic_0001>
#map = affine_map<(d0, d1) -> (0, 0)>
#map1 = affine_map<(d0, d1) -> (0)>
module attributes {stable_mosaic.version = 14 : i64} {
  func.func @sc_embedding_gather(%arg0: i32, %arg1: i32, %arg2: memref<49408x512xf32, #tpu.memory_space<hbm>>, %arg3: memref<77000xi32, #tpu.memory_space<hbm>>, %arg4: memref<77000x512xf32, #tpu.memory_space<hbm>>, %arg5: memref<2408xi32, #tpu.memory_space<vmem>>, %arg6: memref<112x512xf32, #tpu.memory_space<vmem>>, %arg7: memref<112x512xf32, #tpu.memory_space<vmem>>, %arg8: memref<!tpu.dma_semaphore, #tpu.memory_space<semaphore_mem>>, %arg9: memref<!tpu.dma_semaphore, #tpu.memory_space<semaphore_mem>>, %arg10: memref<!tpu.dma_semaphore, #tpu.memory_space<semaphore_mem>>) attributes {dimension_semantics = [#tpu.dimension_semantics<core_parallel>, #tpu.dimension_semantics<subcore_parallel>], iteration_bounds = array<i64: 2, 16>, scalar_prefetch = 0 : i64, scratch_operands = 6 : i64, tpu.core_type = #tpu.core_type<sc_vector_subcore>, window_params = [{transform_indices = #map}, {transform_indices = #map1}, {transform_indices = #map}]} {
    %mul3A = arith.constant 2 : i32
    %mul3A_0 = arith.muli %arg1, %mul3A : i32
    %add3A = arith.addi %mul3A_0, %arg0 : i32
    %mul3A_1 = arith.constant 2408 : i32
    %mul3A_2 = arith.muli %add3A, %mul3A_1 : i32
    %min3A = arith.constant 74592 : i32
    %min3A_3 = arith.minsi %mul3A_2, %min3A : i32
    %multiple_of3A = tpu.assume_multiple %min3A_3, 8 : i32
    "tpu.region"() ({
      %run_scoped3A = tpu.sem_alloc : memref<!tpu.dma_semaphore, #tpu.memory_space<semaphore_mem>>
      %dma_start3A_44 = arith.constant 0 : i32
      %dma_start3A_45 = tpu.memref_slice %arg5[%dma_start3A_44] : memref<2408xi32, #tpu.memory_space<vmem>> -> memref<112xi32, #tpu.memory_space<vmem>>
      %dma_start3A_46 = tpu.memref_slice %arg3[%multiple_of3A] : memref<77000xi32, #tpu.memory_space<hbm>> -> memref<112xi32, #tpu.memory_space<hbm>>
      %dma_start3A_47 = arith.constant 0 : i32
      %dma_start3A_48 = tpu.memref_slice %arg5[%dma_start3A_47] : memref<2408xi32, #tpu.memory_space<vmem>> -> memref<112xi32, #tpu.memory_space<vmem>>
      %dma_start3A_49 = tpu.memref_slice %arg3[%multiple_of3A] : memref<77000xi32, #tpu.memory_space<hbm>> -> memref<112xi32, #tpu.memory_space<hbm>>
      tpu.enqueue_dma source(%dma_start3A_49 : memref<112xi32, #tpu.memory_space<hbm>>) target(%dma_start3A_48 : memref<112xi32, #tpu.memory_space<vmem>>) target_semaphore(%run_scoped3A : memref<!tpu.dma_semaphore, #tpu.memory_space<semaphore_mem>>)
      %dma_wait3A_50 = arith.constant 0 : i32
      %dma_wait3A_51 = tpu.memref_slice %arg5[%dma_wait3A_50] : memref<2408xi32, #tpu.memory_space<vmem>> -> memref<112xi32, #tpu.memory_space<vmem>>
      %dma_wait3A_52 = tpu.memref_slice %arg3[%multiple_of3A] : memref<77000xi32, #tpu.memory_space<hbm>> -> memref<112xi32, #tpu.memory_space<hbm>>
      %dma_wait3A_53 = arith.constant 0 : i32
      %dma_wait3A_54 = tpu.memref_slice %arg5[%dma_wait3A_53] : memref<2408xi32, #tpu.memory_space<vmem>> -> memref<112xi32, #tpu.memory_space<vmem>>
      %dma_wait3A_55 = tpu.memref_slice %arg3[%multiple_of3A] : memref<77000xi32, #tpu.memory_space<hbm>> -> memref<112xi32, #tpu.memory_space<hbm>>
      tpu.wait_dma2 semaphore(%run_scoped3A : memref<!tpu.dma_semaphore, #tpu.memory_space<semaphore_mem>>) src(%dma_wait3A_55 : memref<112xi32, #tpu.memory_space<hbm>>) dst(%dma_wait3A_54 : memref<112xi32, #tpu.memory_space<vmem>>)
      tpu.yield
    }) : () -> ()
    %dma_start3A = arith.constant 0 : i32
    %dma_start3A_4 = tpu.memref_slice %arg5[%dma_start3A] : memref<2408xi32, #tpu.memory_space<vmem>> -> memref<112xi32, #tpu.memory_space<vmem>>
    %dma_start3A_5 = arith.constant 0 : i32
    %dma_start3A_6 = arith.constant 0 : i32
    %dma_start3A_7 = tpu.memref_slice %arg2[%dma_start3A_5, %dma_start3A_6] : memref<49408x512xf32, #tpu.memory_space<hbm>> -> memref<49408x512xf32, #tpu.memory_space<hbm>>
    tpu.enqueue_indirect_dma source(%dma_start3A_7 : memref<49408x512xf32, #tpu.memory_space<hbm>>) target(%arg6 : memref<112x512xf32, #tpu.memory_space<vmem>>) offsets(%dma_start3A_4 : memref<112xi32, #tpu.memory_space<vmem>>) semaphore(%arg8 : memref<!tpu.dma_semaphore, #tpu.memory_space<semaphore_mem>>)
    %add3A_8 = arith.constant 112 : i32
    %add3A_9 = arith.addi %multiple_of3A, %add3A_8 : i32
    "tpu.region"() ({
      %run_scoped3A = tpu.sem_alloc : memref<!tpu.dma_semaphore, #tpu.memory_space<semaphore_mem>>
      %dma_start3A_44 = arith.constant 112 : i32
      %dma_start3A_45 = tpu.memref_slice %arg5[%dma_start3A_44] : memref<2408xi32, #tpu.memory_space<vmem>> -> memref<2296xi32, #tpu.memory_space<vmem>>
      %dma_start3A_46 = tpu.memref_slice %arg3[%add3A_9] : memref<77000xi32, #tpu.memory_space<hbm>> -> memref<2296xi32, #tpu.memory_space<hbm>>
      %dma_start3A_47 = arith.constant 112 : i32
      %dma_start3A_48 = tpu.memref_slice %arg5[%dma_start3A_47] : memref<2408xi32, #tpu.memory_space<vmem>> -> memref<2296xi32, #tpu.memory_space<vmem>>
      %dma_start3A_49 = tpu.memref_slice %arg3[%add3A_9] : memref<77000xi32, #tpu.memory_space<hbm>> -> memref<2296xi32, #tpu.memory_space<hbm>>
      tpu.enqueue_dma source(%dma_start3A_49 : memref<2296xi32, #tpu.memory_space<hbm>>) target(%dma_start3A_48 : memref<2296xi32, #tpu.memory_space<vmem>>) target_semaphore(%run_scoped3A : memref<!tpu.dma_semaphore, #tpu.memory_space<semaphore_mem>>)
      %dma_wait3A_50 = arith.constant 112 : i32
      %dma_wait3A_51 = tpu.memref_slice %arg5[%dma_wait3A_50] : memref<2408xi32, #tpu.memory_space<vmem>> -> memref<2296xi32, #tpu.memory_space<vmem>>
      %dma_wait3A_52 = tpu.memref_slice %arg3[%add3A_9] : memref<77000xi32, #tpu.memory_space<hbm>> -> memref<2296xi32, #tpu.memory_space<hbm>>
      %dma_wait3A_53 = arith.constant 112 : i32
      %dma_wait3A_54 = tpu.memref_slice %arg5[%dma_wait3A_53] : memref<2408xi32, #tpu.memory_space<vmem>> -> memref<2296xi32, #tpu.memory_space<vmem>>
      %dma_wait3A_55 = tpu.memref_slice %arg3[%add3A_9] : memref<77000xi32, #tpu.memory_space<hbm>> -> memref<2296xi32, #tpu.memory_space<hbm>>
      tpu.wait_dma2 semaphore(%run_scoped3A : memref<!tpu.dma_semaphore, #tpu.memory_space<semaphore_mem>>) src(%dma_wait3A_55 : memref<2296xi32, #tpu.memory_space<hbm>>) dst(%dma_wait3A_54 : memref<2296xi32, #tpu.memory_space<vmem>>)
      tpu.yield
    }) : () -> ()
    %scan3A = arith.constant 0 : i32
    %scan3A_10 = arith.constant 0 : i32
    %scan3A_11 = arith.constant 21 : i32
    %scan3A_12 = arith.addi %scan3A_10, %scan3A_11 : i32
    %scan3A_13 = arith.constant 1 : i32
    scf.for %scan3A_44 = %scan3A_10 to %scan3A_12 step %scan3A_13  : i32 {
      %rem3A = arith.constant 2 : i32
      %rem3A_45 = arith.remsi %scan3A_44, %rem3A : i32
      %eq3A = arith.constant 0 : i32
      %eq3A_46 = arith.cmpi eq, %rem3A_45, %eq3A : i32
      %convert_element_type3A = arith.extui %eq3A_46 : i1 to i32
      %cond3A = arith.constant 0 : i32
      %cond3A_47 = arith.cmpi ne, %convert_element_type3A, %cond3A : i32
      scf.if %cond3A_47 {
        %dma_wait3A_53 = arith.constant 0 : i32
        %dma_wait3A_54 = tpu.memref_slice %arg5[%dma_wait3A_53] : memref<2408xi32, #tpu.memory_space<vmem>> -> memref<112xi32, #tpu.memory_space<vmem>>
        %dma_wait3A_55 = arith.constant 0 : i32
        %dma_wait3A_56 = arith.constant 0 : i32
        %dma_wait3A_57 = tpu.memref_slice %arg2[%dma_wait3A_55, %dma_wait3A_56] : memref<49408x512xf32, #tpu.memory_space<hbm>> -> memref<49408x512xf32, #tpu.memory_space<hbm>>
        tpu.wait_indirect_dma semaphore(%arg8 : memref<!tpu.dma_semaphore, #tpu.memory_space<semaphore_mem>>) src(%dma_wait3A_57 : memref<49408x512xf32, #tpu.memory_space<hbm>>) dst(%arg6 : memref<112x512xf32, #tpu.memory_space<vmem>>)
        %add3A_58 = arith.constant 1 : i32
        %add3A_59 = arith.addi %scan3A_44, %add3A_58 : i32
        %lt3A = arith.constant 21 : i32
        %lt3A_60 = arith.cmpi slt, %add3A_59, %lt3A : i32
        %convert_element_type3A_61 = arith.extui %lt3A_60 : i1 to i32
        %cond3A_62 = arith.constant 0 : i32
        %cond3A_63 = arith.cmpi ne, %convert_element_type3A_61, %cond3A_62 : i32
        scf.if %cond3A_63 {
          %add3A_82 = arith.constant 1 : i32
          %add3A_83 = arith.addi %scan3A_44, %add3A_82 : i32
          %mul3A_84 = arith.constant 112 : i32
          %mul3A_85 = arith.muli %add3A_83, %mul3A_84 : i32
          %dma_start3A_86 = tpu.memref_slice %arg5[%mul3A_85] : memref<2408xi32, #tpu.memory_space<vmem>> -> memref<112xi32, #tpu.memory_space<vmem>>
          %dma_start3A_87 = arith.constant 0 : i32
          %dma_start3A_88 = arith.constant 0 : i32
          %dma_start3A_89 = tpu.memref_slice %arg2[%dma_start3A_87, %dma_start3A_88] : memref<49408x512xf32, #tpu.memory_space<hbm>> -> memref<49408x512xf32, #tpu.memory_space<hbm>>
          tpu.enqueue_indirect_dma source(%dma_start3A_89 : memref<49408x512xf32, #tpu.memory_space<hbm>>) target(%arg7 : memref<112x512xf32, #tpu.memory_space<vmem>>) offsets(%dma_start3A_86 : memref<112xi32, #tpu.memory_space<vmem>>) semaphore(%arg9 : memref<!tpu.dma_semaphore, #tpu.memory_space<semaphore_mem>>)
        } else {
        }
        %add3A_64 = arith.constant 1 : i32
        %add3A_65 = arith.addi %scan3A_44, %add3A_64 : i32
        %eq3A_66 = arith.constant 21 : i32
        %eq3A_67 = arith.cmpi eq, %add3A_65, %eq3A_66 : i32
        %convert_element_type3A_68 = arith.extui %eq3A_67 : i1 to i32
        %cond3A_69 = arith.constant 0 : i32
        %cond3A_70 = arith.cmpi ne, %convert_element_type3A_68, %cond3A_69 : i32
        scf.if %cond3A_70 {
          %dma_start3A_82 = arith.constant 0 : i32
          %dma_start3A_83 = arith.constant 0 : i32
          %dma_start3A_84 = tpu.memref_slice %arg7[%dma_start3A_82, %dma_start3A_83] : memref<112x512xf32, #tpu.memory_space<vmem>> -> memref<56x512xf32, #tpu.memory_space<vmem>>
          %dma_start3A_85 = arith.constant 2352 : i32
          %dma_start3A_86 = tpu.memref_slice %arg5[%dma_start3A_85] : memref<2408xi32, #tpu.memory_space<vmem>> -> memref<56xi32, #tpu.memory_space<vmem>>
          %dma_start3A_87 = arith.constant 0 : i32
          %dma_start3A_88 = arith.constant 0 : i32
          %dma_start3A_89 = tpu.memref_slice %arg2[%dma_start3A_87, %dma_start3A_88] : memref<49408x512xf32, #tpu.memory_space<hbm>> -> memref<49408x512xf32, #tpu.memory_space<hbm>>
          tpu.enqueue_indirect_dma source(%dma_start3A_89 : memref<49408x512xf32, #tpu.memory_space<hbm>>) target(%dma_start3A_84 : memref<56x512xf32, #tpu.memory_space<vmem>>) offsets(%dma_start3A_86 : memref<56xi32, #tpu.memory_space<vmem>>) semaphore(%arg9 : memref<!tpu.dma_semaphore, #tpu.memory_space<semaphore_mem>>)
        } else {
        }
        %mul3A_71 = arith.constant 112 : i32
        %mul3A_72 = arith.muli %scan3A_44, %mul3A_71 : i32
        %add3A_73 = arith.addi %multiple_of3A, %mul3A_72 : i32
        %dma_start3A_74 = arith.constant 0 : i32
        %dma_start3A_75 = tpu.memref_slice %arg4[%add3A_73, %dma_start3A_74] : memref<77000x512xf32, #tpu.memory_space<hbm>> -> memref<112x512xf32, #tpu.memory_space<hbm>>
        %dma_start3A_76 = arith.constant 0 : i32
        %dma_start3A_77 = tpu.memref_slice %arg4[%add3A_73, %dma_start3A_76] : memref<77000x512xf32, #tpu.memory_space<hbm>> -> memref<112x512xf32, #tpu.memory_space<hbm>>
        tpu.enqueue_dma source(%arg6 : memref<112x512xf32, #tpu.memory_space<vmem>>) target(%dma_start3A_77 : memref<112x512xf32, #tpu.memory_space<hbm>>) target_semaphore(%arg10 : memref<!tpu.dma_semaphore, #tpu.memory_space<semaphore_mem>>)
        %dma_wait3A_78 = arith.constant 0 : i32
        %dma_wait3A_79 = tpu.memref_slice %arg4[%add3A_73, %dma_wait3A_78] : memref<77000x512xf32, #tpu.memory_space<hbm>> -> memref<112x512xf32, #tpu.memory_space<hbm>>
        %dma_wait3A_80 = arith.constant 0 : i32
        %dma_wait3A_81 = tpu.memref_slice %arg4[%add3A_73, %dma_wait3A_80] : memref<77000x512xf32, #tpu.memory_space<hbm>> -> memref<112x512xf32, #tpu.memory_space<hbm>>
        tpu.wait_dma2 semaphore(%arg10 : memref<!tpu.dma_semaphore, #tpu.memory_space<semaphore_mem>>) src(%arg6 : memref<112x512xf32, #tpu.memory_space<vmem>>) dst(%dma_wait3A_81 : memref<112x512xf32, #tpu.memory_space<hbm>>)
      } else {
      }
      %eq3A_48 = arith.constant 1 : i32
      %eq3A_49 = arith.cmpi eq, %rem3A_45, %eq3A_48 : i32
      %convert_element_type3A_50 = arith.extui %eq3A_49 : i1 to i32
      %cond3A_51 = arith.constant 0 : i32
      %cond3A_52 = arith.cmpi ne, %convert_element_type3A_50, %cond3A_51 : i32
      scf.if %cond3A_52 {
        %dma_wait3A_53 = arith.constant 0 : i32
        %dma_wait3A_54 = tpu.memref_slice %arg5[%dma_wait3A_53] : memref<2408xi32, #tpu.memory_space<vmem>> -> memref<112xi32, #tpu.memory_space<vmem>>
        %dma_wait3A_55 = arith.constant 0 : i32
        %dma_wait3A_56 = arith.constant 0 : i32
        %dma_wait3A_57 = tpu.memref_slice %arg2[%dma_wait3A_55, %dma_wait3A_56] : memref<49408x512xf32, #tpu.memory_space<hbm>> -> memref<49408x512xf32, #tpu.memory_space<hbm>>
        tpu.wait_indirect_dma semaphore(%arg9 : memref<!tpu.dma_semaphore, #tpu.memory_space<semaphore_mem>>) src(%dma_wait3A_57 : memref<49408x512xf32, #tpu.memory_space<hbm>>) dst(%arg7 : memref<112x512xf32, #tpu.memory_space<vmem>>)
        %add3A_58 = arith.constant 1 : i32
        %add3A_59 = arith.addi %scan3A_44, %add3A_58 : i32
        %lt3A = arith.constant 21 : i32
        %lt3A_60 = arith.cmpi slt, %add3A_59, %lt3A : i32
        %convert_element_type3A_61 = arith.extui %lt3A_60 : i1 to i32
        %cond3A_62 = arith.constant 0 : i32
        %cond3A_63 = arith.cmpi ne, %convert_element_type3A_61, %cond3A_62 : i32
        scf.if %cond3A_63 {
          %add3A_82 = arith.constant 1 : i32
          %add3A_83 = arith.addi %scan3A_44, %add3A_82 : i32
          %mul3A_84 = arith.constant 112 : i32
          %mul3A_85 = arith.muli %add3A_83, %mul3A_84 : i32
          %dma_start3A_86 = tpu.memref_slice %arg5[%mul3A_85] : memref<2408xi32, #tpu.memory_space<vmem>> -> memref<112xi32, #tpu.memory_space<vmem>>
          %dma_start3A_87 = arith.constant 0 : i32
          %dma_start3A_88 = arith.constant 0 : i32
          %dma_start3A_89 = tpu.memref_slice %arg2[%dma_start3A_87, %dma_start3A_88] : memref<49408x512xf32, #tpu.memory_space<hbm>> -> memref<49408x512xf32, #tpu.memory_space<hbm>>
          tpu.enqueue_indirect_dma source(%dma_start3A_89 : memref<49408x512xf32, #tpu.memory_space<hbm>>) target(%arg6 : memref<112x512xf32, #tpu.memory_space<vmem>>) offsets(%dma_start3A_86 : memref<112xi32, #tpu.memory_space<vmem>>) semaphore(%arg8 : memref<!tpu.dma_semaphore, #tpu.memory_space<semaphore_mem>>)
        } else {
        }
        %add3A_64 = arith.constant 1 : i32
        %add3A_65 = arith.addi %scan3A_44, %add3A_64 : i32
        %eq3A_66 = arith.constant 21 : i32
        %eq3A_67 = arith.cmpi eq, %add3A_65, %eq3A_66 : i32
        %convert_element_type3A_68 = arith.extui %eq3A_67 : i1 to i32
        %cond3A_69 = arith.constant 0 : i32
        %cond3A_70 = arith.cmpi ne, %convert_element_type3A_68, %cond3A_69 : i32
        scf.if %cond3A_70 {
          %dma_start3A_82 = arith.constant 0 : i32
          %dma_start3A_83 = arith.constant 0 : i32
          %dma_start3A_84 = tpu.memref_slice %arg6[%dma_start3A_82, %dma_start3A_83] : memref<112x512xf32, #tpu.memory_space<vmem>> -> memref<56x512xf32, #tpu.memory_space<vmem>>
          %dma_start3A_85 = arith.constant 2352 : i32
          %dma_start3A_86 = tpu.memref_slice %arg5[%dma_start3A_85] : memref<2408xi32, #tpu.memory_space<vmem>> -> memref<56xi32, #tpu.memory_space<vmem>>
          %dma_start3A_87 = arith.constant 0 : i32
          %dma_start3A_88 = arith.constant 0 : i32
          %dma_start3A_89 = tpu.memref_slice %arg2[%dma_start3A_87, %dma_start3A_88] : memref<49408x512xf32, #tpu.memory_space<hbm>> -> memref<49408x512xf32, #tpu.memory_space<hbm>>
          tpu.enqueue_indirect_dma source(%dma_start3A_89 : memref<49408x512xf32, #tpu.memory_space<hbm>>) target(%dma_start3A_84 : memref<56x512xf32, #tpu.memory_space<vmem>>) offsets(%dma_start3A_86 : memref<56xi32, #tpu.memory_space<vmem>>) semaphore(%arg8 : memref<!tpu.dma_semaphore, #tpu.memory_space<semaphore_mem>>)
        } else {
        }
        %mul3A_71 = arith.constant 112 : i32
        %mul3A_72 = arith.muli %scan3A_44, %mul3A_71 : i32
        %add3A_73 = arith.addi %multiple_of3A, %mul3A_72 : i32
        %dma_start3A_74 = arith.constant 0 : i32
        %dma_start3A_75 = tpu.memref_slice %arg4[%add3A_73, %dma_start3A_74] : memref<77000x512xf32, #tpu.memory_space<hbm>> -> memref<112x512xf32, #tpu.memory_space<hbm>>
        %dma_start3A_76 = arith.constant 0 : i32
        %dma_start3A_77 = tpu.memref_slice %arg4[%add3A_73, %dma_start3A_76] : memref<77000x512xf32, #tpu.memory_space<hbm>> -> memref<112x512xf32, #tpu.memory_space<hbm>>
        tpu.enqueue_dma source(%arg7 : memref<112x512xf32, #tpu.memory_space<vmem>>) target(%dma_start3A_77 : memref<112x512xf32, #tpu.memory_space<hbm>>) target_semaphore(%arg10 : memref<!tpu.dma_semaphore, #tpu.memory_space<semaphore_mem>>)
        %dma_wait3A_78 = arith.constant 0 : i32
        %dma_wait3A_79 = tpu.memref_slice %arg4[%add3A_73, %dma_wait3A_78] : memref<77000x512xf32, #tpu.memory_space<hbm>> -> memref<112x512xf32, #tpu.memory_space<hbm>>
        %dma_wait3A_80 = arith.constant 0 : i32
        %dma_wait3A_81 = tpu.memref_slice %arg4[%add3A_73, %dma_wait3A_80] : memref<77000x512xf32, #tpu.memory_space<hbm>> -> memref<112x512xf32, #tpu.memory_space<hbm>>
        tpu.wait_dma2 semaphore(%arg10 : memref<!tpu.dma_semaphore, #tpu.memory_space<semaphore_mem>>) src(%arg7 : memref<112x512xf32, #tpu.memory_space<vmem>>) dst(%dma_wait3A_81 : memref<112x512xf32, #tpu.memory_space<hbm>>)
      } else {
      }
    }
    %scan3A_14 = arith.constant 21 : i32
    %dma_wait3A = arith.constant 0 : i32
    %dma_wait3A_15 = arith.constant 0 : i32
    %dma_wait3A_16 = tpu.memref_slice %arg7[%dma_wait3A, %dma_wait3A_15] : memref<112x512xf32, #tpu.memory_space<vmem>> -> memref<56x512xf32, #tpu.memory_space<vmem>>
    %dma_wait3A_17 = arith.constant 0 : i32
    %dma_wait3A_18 = tpu.memref_slice %arg5[%dma_wait3A_17] : memref<2408xi32, #tpu.memory_space<vmem>> -> memref<56xi32, #tpu.memory_space<vmem>>
    %dma_wait3A_19 = arith.constant 0 : i32
    %dma_wait3A_20 = arith.constant 0 : i32
    %dma_wait3A_21 = tpu.memref_slice %arg2[%dma_wait3A_19, %dma_wait3A_20] : memref<49408x512xf32, #tpu.memory_space<hbm>> -> memref<49408x512xf32, #tpu.memory_space<hbm>>
    tpu.wait_indirect_dma semaphore(%arg9 : memref<!tpu.dma_semaphore, #tpu.memory_space<semaphore_mem>>) src(%dma_wait3A_21 : memref<49408x512xf32, #tpu.memory_space<hbm>>) dst(%dma_wait3A_16 : memref<56x512xf32, #tpu.memory_space<vmem>>)
    %add3A_22 = arith.constant 2352 : i32
    %add3A_23 = arith.addi %multiple_of3A, %add3A_22 : i32
    %dma_start3A_24 = arith.constant 0 : i32
    %dma_start3A_25 = arith.constant 0 : i32
    %dma_start3A_26 = tpu.memref_slice %arg7[%dma_start3A_24, %dma_start3A_25] : memref<112x512xf32, #tpu.memory_space<vmem>> -> memref<56x512xf32, #tpu.memory_space<vmem>>
    %dma_start3A_27 = arith.constant 0 : i32
    %dma_start3A_28 = tpu.memref_slice %arg4[%add3A_23, %dma_start3A_27] : memref<77000x512xf32, #tpu.memory_space<hbm>> -> memref<56x512xf32, #tpu.memory_space<hbm>>
    %dma_start3A_29 = arith.constant 0 : i32
    %dma_start3A_30 = tpu.memref_slice %arg4[%add3A_23, %dma_start3A_29] : memref<77000x512xf32, #tpu.memory_space<hbm>> -> memref<56x512xf32, #tpu.memory_space<hbm>>
    %dma_start3A_31 = arith.constant 0 : i32
    %dma_start3A_32 = arith.constant 0 : i32
    %dma_start3A_33 = tpu.memref_slice %arg7[%dma_start3A_31, %dma_start3A_32] : memref<112x512xf32, #tpu.memory_space<vmem>> -> memref<56x512xf32, #tpu.memory_space<vmem>>
    tpu.enqueue_dma source(%dma_start3A_33 : memref<56x512xf32, #tpu.memory_space<vmem>>) target(%dma_start3A_30 : memref<56x512xf32, #tpu.memory_space<hbm>>) target_semaphore(%arg10 : memref<!tpu.dma_semaphore, #tpu.memory_space<semaphore_mem>>)
    %dma_wait3A_34 = arith.constant 0 : i32
    %dma_wait3A_35 = arith.constant 0 : i32
    %dma_wait3A_36 = tpu.memref_slice %arg7[%dma_wait3A_34, %dma_wait3A_35] : memref<112x512xf32, #tpu.memory_space<vmem>> -> memref<56x512xf32, #tpu.memory_space<vmem>>
    %dma_wait3A_37 = arith.constant 0 : i32
    %dma_wait3A_38 = tpu.memref_slice %arg4[%add3A_23, %dma_wait3A_37] : memref<77000x512xf32, #tpu.memory_space<hbm>> -> memref<56x512xf32, #tpu.memory_space<hbm>>
    %dma_wait3A_39 = arith.constant 0 : i32
    %dma_wait3A_40 = tpu.memref_slice %arg4[%add3A_23, %dma_wait3A_39] : memref<77000x512xf32, #tpu.memory_space<hbm>> -> memref<56x512xf32, #tpu.memory_space<hbm>>
    %dma_wait3A_41 = arith.constant 0 : i32
    %dma_wait3A_42 = arith.constant 0 : i32
    %dma_wait3A_43 = tpu.memref_slice %arg7[%dma_wait3A_41, %dma_wait3A_42] : memref<112x512xf32, #tpu.memory_space<vmem>> -> memref<56x512xf32, #tpu.memory_space<vmem>>
    tpu.wait_dma2 semaphore(%arg10 : memref<!tpu.dma_semaphore, #tpu.memory_space<semaphore_mem>>) src(%dma_wait3A_43 : memref<56x512xf32, #tpu.memory_space<vmem>>) dst(%dma_wait3A_40 : memref<56x512xf32, #tpu.memory_space<hbm>>)
    return
  }
}

module attributes {stable_mosaic.version = 14 : i64} {
  func.func @_argmax_body(%arg0: memref<77x1000xi32, #tpu.memory_space<vmem>>, %arg1: memref<1x1000xi32, #tpu.memory_space<vmem>>) attributes {dimension_semantics = [], scalar_prefetch = 0 : i64, scratch_operands = 0 : i64, tpu.core_type = #tpu.core_type<tc>} {
    %get3A = arith.constant 0 : index
    %get3A_0 = arith.constant 0 : index
    %get3A_1 = vector.load %arg0[%get3A, %get3A_0] : memref<77x1000xi32, #tpu.memory_space<vmem>>, vector<77x1000xi32>
    %iota3A = tpu.iota {dimensions = array<i32: 0>} : vector<77x1000xi32>
    %reduce_max3A = arith.constant dense<-2147483648> : vector<1000xi32>
    %reduce_max3A_2 = vector.multi_reduction <maxsi>, %get3A_1, %reduce_max3A [0] : vector<77x1000xi32> to vector<1000xi32>
    %broadcast_in_dim3A = vector.shape_cast %reduce_max3A_2 : vector<1000xi32> to vector<1x1000xi32>
    %eq3A = vector.broadcast %broadcast_in_dim3A : vector<1x1000xi32> to vector<77x1000xi32>
    %eq3A_3 = arith.cmpi eq, %get3A_1, %eq3A : vector<77x1000xi32>
    %jit3A = arith.constant 77 : i32
    %broadcast_in_dim3A_4 = vector.broadcast %jit3A : i32 to vector<77x1000xi32>
    %select_n3A = arith.select %eq3A_3, %iota3A, %broadcast_in_dim3A_4 : vector<77x1000xi1>, vector<77x1000xi32>
    %reduce_min3A = arith.constant dense<2147483647> : vector<1000xi32>
    %reduce_min3A_5 = vector.multi_reduction <minsi>, %select_n3A, %reduce_min3A [0] : vector<77x1000xi32> to vector<1000xi32>
    %broadcast_in_dim3A_6 = vector.shape_cast %reduce_min3A_5 : vector<1000xi32> to vector<1x1000xi32>
    %swap3A = arith.constant 0 : index
    %swap3A_7 = arith.constant 0 : index
    %swap3A_8 = vector.load %arg1[%swap3A, %swap3A_7] : memref<1x1000xi32, #tpu.memory_space<vmem>>, vector<1x1000xi32>
    tpu.vector_store %arg1[%swap3A, %swap3A_7], %broadcast_in_dim3A_6 {strides = array<i32>} : memref<1x1000xi32, #tpu.memory_space<vmem>>, vector<1x1000xi32>,
    return
  }
}

</mosaic_0001>

<sc_bundles>
// kernel: sc_embedding_gather.3.cloned.1.call-start
scs
__scs_entry_jumppad:
0x0: {  	(pc) =	sbr.rel $0x88, $3  }
0x1: {  	(tag) =	ssettag $0x0;
	lr =	simm.s32 $0x1  }
0x2: {  	[smem:$0x3F9F] =	sst lr;
	_ =	strace $0xD0000000  }
0x3: {  	_ = 	snop  }
0x4: {  	_ = 	snop  }
0x5: {  	_ = 	snop  }
0x6: {  	_ = 	snop  }
0x7: {  	_ = 	snop  }
__scs_overlays_trampoline_lowered:
0x8: {  	[smem:$0x3FAE] =	sst s0  }
0x9: {  	[smem:$0x3FAF] =	sst s1  }
0xa: {  	[smem:$0x3FB0] =	sst s2  }
0xb: {  	[smem:$0x3FB1] =	sst s3  }
0xc: {  	[smem:$0x3FB2] =	sst s4  }
0xd: {  	[smem:$0x3FB3] =	sst s5  }
0xe: {  	[smem:$0x3FB4] =	sst s6  }
0xf: {  	[smem:$0x3FB5] =	sst s7  }
0x10: {  	[smem:$0x3FB6] =	sst s8  }
0x11: {  	[smem:$0x3FB7] =	sst s9;
	s0 =	simm.s32 @!p0 $0x0  }
0x12: {  	s1 =	sld [smem:$0x3F9D];
	s0 =	simm.s32 @p0 $0x1  }
0x13: {  	[smem:$0x3FB8] =	sst s0;
	s0 =	simm.s32 @!p1 $0x0  }
0x14: {  	s2 =	sld [smem:$0x3F9C];
	s0 =	simm.s32 @p1 $0x1  }
0x15: {  	[smem:$0x3FB9] =	sst s0;
	s0 =	simm.s32 @!p2 $0x0  }
0x16: {  	s3 =	sld [smem:$0x3FDB];
	s0 =	simm.s32 @p2 $0x1  }
0x17: {  	s4 =	simm.s32 $0x1BF5;
	[smem:$0x3FBB] =	sst s0  }
0x18: {  	s0 =	sld [smem:$0x3F9E];
	_ =	swait.ge [sflag:s4], $0x0  }
0x19: {  	s7 =	sld [smem:$0x3F9F]  }
0x1a: {  	s8 =	sadd.s32 $0xFFFFE003, lr  }
0x1b: {  	s9 =	sadd.s32 $0xFFFFFEF7, lr;
	s5 =	simm.s32 $0xFFFFFFFF;
	p2 =	slt.u32 s8, $0xFFFFF086  }
0x1c: {  	p1 =	slt.u32 s9, $0xF7A;
	s5 =	simm.s32 @!p2 $0x0  }
0x1d: {  	s5 =	simm.s32 @p1 $0x1;
	p0 =	seq.s32 s7, s2  }
0x1e: {  	s7 =	smul.u32 @!p0 $0xF7A, s2;
	p2 =	seq.s32 @!p0 s5, $0x0  }
0x1f: {  	s9 =	smul.u32 $0xF7A, s1;
	s8 =	simm.s32 @!p0 $0x1BF5;
	p2 =	por !p2, p0  }
0x20: {  	[sflag:s8] =	ssyncset.s32 @!p0 $0xFFFFF086;
	s6 =	sadd.s32 @!p0 s3, s7;
	s7 =	simm.s32 @!p0 $0x108  }
0x21: {  	s3 =	sadd.s32 s3, s9;
	s6 =	sadd.s32 @!p0 $0x88, s6;
	s7 =	simm.s32 @p2 $0x1082  }
0x22: {  	[simem:s7], [sflag:s8] =	dma.local @!p0 [hbm:s6], $0xF7A  }
0x23: {  	s9 =	sor.u32 $0xD0000000, s2;
	s6 =	simm.s32 $0x108;
	_ =	swait.ge @!p0 [sflag:s8], $0x0  }
0x24: {  	s3 =	sadd.s32 $0x88, s3;
	s6 =	simm.s32 @!p1 $0x1082;
	[sflag:s4] =	ssyncset.s32 $0xFFFFF086  }
0x25: {  	[simem:s6], [sflag:s4] =	dma.local [hbm:s3], $0xF7A  }
0x26: {  	[smem:$0x3F9F] =	sst s1;
	(tag) =	ssettag s2;
	_ =	strace s9  }
0x27: {  	s1 =	sld [smem:$0x3FAF]  }
0x28: {  	s2 =	sld [smem:$0x3FB0]  }
0x29: {  	s4 =	sld [smem:$0x3FB2]  }
0x2a: {  	p0 =	seq.s32 s5, $0x0;
	s5 =	sld [smem:$0x3FB3]  }
0x2b: {  	s6 =	sld [smem:$0x3FB4]  }
0x2c: {  	s7 =	sld [smem:$0x3FB5]  }
0x2d: {  	s3 =	simm.s32 $0x108;
	s8 =	sld [smem:$0x3FB6]  }
0x2e: {  	s3 =	simm.s32 @!p0 $0x1082;
	s9 =	sld [smem:$0x3FB7]  }
0x2f: {  	lr =	sadd.s32 s0, s3;
	s0 =	sld [smem:$0x3FAE]  }
0x30: {  	s3 =	sld [smem:$0x3FB1]  }
0x31: {  	[smem:$0x3FBA] =	sst s10  }
0x32: {  	s10 =	sld [smem:$0x3FB8];
	_ =	sdelay $0x3  }
0x33: {  	p0 =	seq.s32 s10, $0x1;
	s10 =	sld [smem:$0x3FBA];
	_ =	sdelay $0x3  }
0x34: {  	[smem:$0x3FBA] =	sst s10  }
0x35: {  	s10 =	sld [smem:$0x3FB9];
	_ =	sdelay $0x3  }
0x36: {  	p1 =	seq.s32 s10, $0x1;
	s10 =	sld [smem:$0x3FBA];
	_ =	sdelay $0x3  }
0x37: {  	[smem:$0x3FBA] =	sst s10  }
0x38: {  	s10 =	sld [smem:$0x3FBB]  }
0x39: {  	_ = 	snop;
	(pc) =	sbr.ind lr, $3  }
0x3a: {  	_ = 	snop  }
0x3b: {  	_ = 	snop  }
0x3c: {  	p2 =	seq.s32 s10, $0x1;
	s10 =	sld [smem:$0x3FBA]  }
0x3d: {  	_ =	shalt  }
0x3e: {  	_ =	shalt  }
0x3f: {  	_ =	shalt  }
0x40: {  	_ =	shalt  }
0x41: {  	_ =	shalt  }
0x42: {  	_ =	shalt  }
0x43: {  	_ =	shalt  }
0x44: {  	_ =	shalt  }
0x45: {  	_ =	shalt  }
0x46: {  	_ =	shalt  }
0x47: {  	_ =	shalt  }
0x48: {  	_ =	shalt  }
0x49: {  	_ =	shalt  }
0x4a: {  	_ =	shalt  }
0x4b: {  	_ =	shalt  }
0x4c: {  	_ =	shalt  }
0x4d: {  	_ =	shalt  }
0x4e: {  	_ =	shalt  }
0x4f: {  	_ =	shalt  }
0x50: {  	_ =	shalt  }
0x51: {  	_ =	shalt  }
0x52: {  	_ =	shalt  }
0x53: {  	_ =	shalt  }
0x54: {  	_ =	shalt  }
0x55: {  	_ =	shalt  }
0x56: {  	_ =	shalt  }
0x57: {  	_ =	shalt  }
0x58: {  	_ =	shalt  }
0x59: {  	_ =	shalt  }
0x5a: {  	_ =	shalt  }
0x5b: {  	_ =	shalt  }
0x5c: {  	_ =	shalt  }
0x5d: {  	_ =	shalt  }
0x5e: {  	_ =	shalt  }
0x5f: {  	_ =	shalt  }
0x60: {  	_ =	shalt  }
0x61: {  	_ =	shalt  }
0x62: {  	_ =	shalt  }
0x63: {  	_ =	shalt  }
0x64: {  	_ =	shalt  }
0x65: {  	_ =	shalt  }
0x66: {  	_ =	shalt  }
0x67: {  	_ =	shalt  }
0x68: {  	_ =	shalt  }
0x69: {  	_ =	shalt  }
0x6a: {  	_ =	shalt  }
0x6b: {  	_ =	shalt  }
0x6c: {  	_ =	shalt  }
0x6d: {  	_ =	shalt  }
0x6e: {  	_ =	shalt  }
0x6f: {  	_ =	shalt  }
0x70: {  	_ =	shalt  }
0x71: {  	_ =	shalt  }
0x72: {  	_ =	shalt  }
0x73: {  	_ =	shalt  }
0x74: {  	_ =	shalt  }
0x75: {  	_ =	shalt  }
0x76: {  	_ =	shalt  }
0x77: {  	_ =	shalt  }
0x78: {  	_ =	shalt  }
0x79: {  	_ =	shalt  }
0x7a: {  	_ =	shalt  }
0x7b: {  	_ =	shalt  }
0x7c: {  	_ =	shalt  }
0x7d: {  	_ =	shalt  }
0x7e: {  	_ =	shalt  }
0x7f: {  	_ =	shalt  }
0x80: {  	_ =	shalt  }
0x81: {  	_ =	shalt  }
0x82: {  	_ =	shalt  }
0x83: {  	_ =	shalt  }
0x84: {  	_ =	shalt  }
0x85: {  	_ =	shalt  }
0x86: {  	_ =	shalt  }
0x87: {  	_ =	shalt  }
.Lfunc_end0:
.L_simem_size_0:
called_computation_lowered:
.L_overlay_start_0:
0x88: {  	s2 =	sld [smem:$0x3FD9]  }
0x89: {  	s3 =	sld [smem:$0x3FFE];
	_ =	sdelay $0x1  }
0x8a: {  	s1 =	srdreg.scid  }
0x8b: {  	s0 =	sand.u32 $0x1, s1  }
0x8c: {  	s14 =	sshll.u32 s0, $0xA;
	s2 =	sadd.s32 s3, s2  }
0x8d: {  	s2 =	sadd.s32 s2, s14  }
0x8e: {  	[smem:$0x3FC6] =	sst s2  }
0x8f: {  	_ = 	snop  }
0x90: {  	s2 =	sld [smem:$0x3FD0];
	_ =	sdelay $0x2  }
0x91: {  	s4 =	simm.s32 $0xA;
	s5 =	simm.s32 $0x10;
	s15 =	sld [smem:$0x3FC8]  }
0x92: {  	[smem:s5], [sflag:s4] =	dma.local [hbm:s2], $0x1  }
0x93: {  	_ =	swait.eq [sflag:s4], $0x1  }
0x94: {  	[sflag:s4] =	ssyncset.done $0x0  }
0x95: {  	[sflag:s4] =	ssyncadd.s32 $0xFFFFFFFF  }
0x96: {  	s16 =	sld [smem:$0x10];
	(tm) =	ssettm $0x1  }
0x97: {  	s17 =	sld [smem:$0x3FFB];
	_ =	sdelay $0x3  }
0x98: {  	_ =	strace s17  }
0x99: {  	s4 =	sld [smem:$0x3FFC];
	_ =	sdelay $0x3  }
0x9a: {  	_ =	strace s4  }
0x9b: {  	s4 =	sld [smem:$0x3FFD];
	_ =	sdelay $0x3  }
0x9c: {  	_ =	strace s4  }
0x9d: {  	_ =	strace $0x8FFFFFFF  }
0x9e: {  	s18 =	sld [smem:$0x3FDB];
	_ =	sdelay $0x1  }
0x9f: {  	s19 =	simm.s32 $_scs_section_size  }
0xa0: {  	s6 =	simm.s32 $_size__tile_overlayer_lowered;
	s7 =	simm.s32 $_tile_overlayer_lowered  }
0xa1: {  	s22 =	simm.s32 $0x1BFF;
	s21 =	sshll.u32 s7, $0x1;
	s4 =	sadd.s32 s19, s18  }
0xa2: {  	s8 =	simm.s32 $0x0;
	s20 =	sshll.u32 s6, $0x1;
	s6 =	sadd.s32 s21, s4  }
0xa3: {  	[timem:s8], [sflag:s22] =	dma.local [hbm:s6], s20  }
0xa4: {  	_ =	swait.ge [sflag:s22], s20  }
0xa5: {  	s5 =	ssub.s32 $0x0, s20;
	[sflag:s22] =	ssyncset.done $0x0  }
0xa6: {  	[sflag:s22] =	ssyncadd.s32 s5;
	_ =	sdelay $0x1  }
0xa7: {  	s23 =	simm.s32 $0x1B8B  }
0xa8: {  	_ =	swait.ge [sflag:s23], $0x1  }
0xa9: {  	[sflag:s23] =	ssyncset.done $0x0  }
0xaa: {  	s25 =	simm.s32 $0x1B8E;
	s24 =	sld [smem:$0x3FFE];
	[sflag:s23] =	ssyncadd.s32 $0xFFFFFFFF  }
0xab: {  	s26 =	simm.s32 $execute0_lowered;
	[smem:$0x3FD2] =	sst s25  }
0xac: {  	s6 =	sshll.u32 s26, $0x1;
	_ =	strace $0x80000046;
	[dreg:$0x1] =	wrdreg $0xFFFFFFFF  }
0xad: {  	s28 =	simm.s32 $_size_execute0_lowered;
	s4 =	sadd.s32 s4, s6;
	[dreg:$0x0] =	wrdreg $0x0  }
0xae: {  	s6 =	sshll.u32 s28, $0x1;
	[dreg:$0x2] =	wrdreg s4  }
0xaf: {  	[dreg:$0x3] =	wrdreg s6  }
0xb0: {  	[dreg:$0x4] =	wrdreg $0xC0  }
0xb1: {  	_ =	task [dreg:s8], $0x5FFFF  }
0xb2: {  	[dreg:$0x1] =	wrdreg $0xFFFFFFFF  }
0xb3: {  	[dreg:$0x0] =	wrdreg $0x60  }
0xb4: {  	[dreg:$0x2] =	wrdreg s15  }
0xb5: {  	[dreg:$0x3] =	wrdreg s24  }
0xb6: {  	[dreg:$0x4] =	wrdreg s16  }
0xb7: {  	[dreg:$0x5] =	wrdreg $0x9  }
0xb8: {  	_ =	task.clear_ibuf [dreg:s8], $0x6FFFF;
	_ =	strace $0x90000046  }
0xb9: {  	s29 =	simm.s32 $0x9;
	_ =	strace $0x80000048  }
0xba: {  	_ =	swait.ge [sflag:s29], $0x1  }
0xbb: {  	[sflag:s29] =	ssyncadd.s32 $0xFFFFFFFF  }
0xbc: {  	_ =	strace $0x90000048  }
0xbd: {  	_ =	sfence  }
0xbe: {  	s30 =	sld [smem:$0x0];
	_ =	sdelay $0x2  }
0xbf: {  	s31 =	sshll.u32 s1, $0xD;
	s1 =	sshrl.u32 s1, $0x2  }
0xc0: {  	s3 =	sand.u32 $0x4000, s31;
	s1 =	sadd.s32 s1, s30  }
0xc1: {  	s0 =	sor.u32 s3, s0;
	s1 =	sshll.u32 s1, $0x11  }
0xc2: {  	s0 =	sor.u32 s1, s0  }
0xc3: {  	s0 =	sadd.s32 $0x8F2B, s0  }
0xc4: {  	[sflag:s0] =	ssyncadd.remote.s32 $0x1  }
0xc5: {  	_ =	sfence.sel $0xFFFF  }
0xc6: {  	[dreg:$0x0] =	wrdreg $0xFFFFFFFF;
	(pc) =	sbr.abs _section_cstart, $3  }
0xc7: {  	[dreg:$0x1] =	wrdreg $0xFFFFFFFF  }
0xc8: {  	_ =	task.clear_ibuf [dreg:s8], $0x2FFFF;
	_ =	strace $0x9FFFFFFF  }
0xc9: {  	(tm) =	ssettm $0x7FFFFFFF  }
tec
execute0_lowered:
.L_overlay_start_1:
0x0: {  	(tag) =	ssettag $0x1  }
0x1: {  	s0 =	srdreg.scid;
	s1 =	rddreg [dreg:$0x0]  }
0x2: {  	s5 =	stileid.u32;
	s4 =	rddreg [dreg:$0x1]  }
0x3: {  	s6 =	rddreg [dreg:$0x2];
	s3 =	simm.s32 $0x0;
	s28 =	simm.s32 $0x8980  }
0x4: {  	s29 =	simm.s32 $0x9180;
	s30 =	simm.s32 $0x9980;
	s31 =	simm.s32 $0xA180  }
0x5: {  	s9 =	simm.s32 $0xD980;
	s10 =	simm.s32 $0xE180;
	s11 =	simm.s32 $0x2  }
0x6: {  	s12 =	simm.s32 $0x3;
	s13 =	simm.s32 $0xE980;
	s14 =	simm.s32 $0x1  }
0x7: {  	s19 =	simm.s32 $0x12980;
	s17 =	simm.s32 $0x13180;
	s20 =	simm.s32 $0x13980  }
0x8: {  	s0 =	sand.u32 $0x1, s0;
	s2 =	sshll.u32 s5, $0x1;
	s5 =	smul.u32 $0x12D0, s5  }
0x9: {  	s2 =	sor.u32 s0, s2;
	s8 =	ssub.s32 $0x2, s0;
	s0 =	smul.u32 $0x968, s0  }
0xa: {  	s16 =	simm.s32 $0x14180;
	[smem:$0x7FF] =	sst s3;
	s2 =	smul.u32 $0x968, s2  }
0xb: {  	s18 =	simm.s32 $0x0;
	_ =	strace $0x80000047;
	s24 =	sshrl.u32 s8, $0x1  }
0xc: {  	s0 =	sadd.s32 s0, s5;
	s5 =	sadd.s32 $0x100, s1;
	s2 =	smin.u32 s2, $0x12360  }
0xd: {  	s0 =	smin.u32 s0, $0x12360;
	s7 =	sshrl.u32 s2, $0x3;
	s2 =	sshll.u32 s2, $0x6  }
0xe: {  	s0 =	sshll.u32 s0, $0x6;
	s4 =	sadd.s32 s7, s4;
	s7 =	ssub.s32 s8, s24  }
0xf: {  	s2 =	sadd.s32 s2, s6;
	s0 =	sadd.s32 s0, s6;
	s24 =	simm.s32 $0x7180  }
0x10: {  	s6 =	simm.s32 $0xC180;
	s25 =	sadd.s32 $0x600, s4;
	[dreg:$0x8] =	wrdreg s0  }
.Ltmp0:
0x11: {  	s4 =	sadd.s32 $0x60E, s4;
	[dreg:$0x4] =	wrdreg s25;
	(pc) =	sbr.rel .LBB2_1-.Ltmp0, $4  }
0x12: {  	s8 =	simm.s32 $0xD180;
	s2 =	sadd.s32 $0x24C00, s2;
	[dreg:$0x5] =	wrdreg s4  }
0x13: {  	v2 =	vlaneseq.u32;
	s26 =	smax.u32 s7, $0x1;
	s0 =	simm.s32 $0xB180;
	[dreg:$0x6] =	wrdreg s2  }
0x14: {  	vm0 =	vmmov $0xffff;
	v1 =	vshrl.u32 v2, $0x3;
	s7 =	simm.s32 $0xC980;
	[dreg:$0x7] =	wrdreg s26;
	s25 =	simm.s32 $0x7980  }
0x15: {  	v0 =	vand.u32 $0x7, v2;
	v2 =	vor.u32 $0x8, v2;
	v1 =	vmul.u32 $0x8, v1;
	s26 =	simm.s32 $0x8180;
	s2 =	simm.s32 $0xA980;
	s4 =	simm.s32 $0xB980  }
.LBB2_9:
0x16: {  	_ =	swait.ge [sflag:s11], $0x7000  }
0x17: {  	[sflag:s11] =	ssyncset.done $0x0  }
0x18: {  	s15 =	rddreg [dreg:$0x6];
	[sflag:s11] =	ssyncadd.s32 $0xFFFF9000  }
0x19: {  	[hbm4b:s15+s3] =	stream.linear.scatter [tilespmem:s13], [sflag:$0x3], $0x7000, $0x38;
	[tilespmem:$0x1C980] =	vst v63  }
0x1a: {  	_ =	swait.ge [sflag:s12], $0x7000  }
0x1b: {  	s18 =	rddreg [dreg:$0x9]  }
0x1c: {  	s23 =	rddreg [dreg:$0x7];
	s18 =	sadd.s32 $0x1, s18  }
0x1d: {  	p0 =	sne.s32 s18, s23  }
.Ltmp1:
0x1e: {  	_ = 	snop;
	(pc) =	sbr.rel @!p0 .LBB2_10-.Ltmp1, $3  }
0x1f: {  	_ =	sdelay $0x1  }
0x20: {  	[sflag:s12] =	ssyncset.done $0x0  }
0x21: {  	[sflag:s12] =	ssyncadd.s32 $0xFFFF9000  }
.LBB2_1:
0x22: {  	[dreg:$0x9] =	wrdreg s18  }
0x23: {  	s15 =	rddreg [dreg:$0x4];
	s18 =	simm.s32 $0x4  }
0x24: {  	[tilespmem:s3], [sflag:$0x4] =	stream.linear.gather [hbm4b:s15+s3], $0x70, $0x38;
	[tilespmem:$0x1C980] =	vst v63  }
0x25: {  	_ =	swait.ge [sflag:s18], $0x70  }
0x26: {  	[sflag:s18] =	ssyncset.done $0x0  }
0x27: {  	[sflag:s18] =	ssyncadd.s32 $0xFFFFFF90  }
0x28: {  	v3 =	vld [tilespmem:$0x0];
	_ =	sdelay $0x4  }
0x29: {  	v4 =	vshll.u32 v3, $0x2  }
0x2a: {  	v3 =	vand.u32 $0x7, v3;
	v4 =	vand.u32 $0xFFFFFFE0, v4  }
0x2b: {  	v3 =	vor.u32 v3, v4  }
0x2c: {  	v4 =	vperm.xlane v3, v0;
	_ =	sdelay $0x1  }
0x2d: {  	v4 =	vadd.s32 v1, v4;
	_ =	sdelay $0x1  }
0x2e: {  	v3 =	vperm.xlane v3, v2;
	_ =	sdelay $0x1  }
0x2f: {  	s22 =	simm.s32 $0x980;
	v3 =	vadd.s32 v1, v3  }
0x30: {  	[tilespmem:s22], [sflag:$0x1] =	stream.indirect_vreg.gather [hbm4b:s1+s3], $0x80, v4, vm0, $0xb8;
	[tilespmem:$0x1C980] =	vst v63  }
0x31: {  	s23 =	simm.s32 $0x1180  }
0x32: {  	[tilespmem:s23], [sflag:$0x1] =	stream.indirect_vreg.gather [hbm4b:s5+s3], $0x80, v4, vm0, $0xb8;
	[tilespmem:$0x1C980] =	vst v63  }
0x33: {  	s21 =	simm.s32 $0x1980  }
0x34: {  	[tilespmem:s21], [sflag:$0x1] =	stream.indirect_vreg.gather [hbm4b:s1+s3], $0x80, v3, vm0, $0xb8;
	[tilespmem:$0x1C980] =	vst v63  }
0x35: {  	s22 =	simm.s32 $0x2180  }
0x36: {  	[tilespmem:s22], [sflag:$0x1] =	stream.indirect_vreg.gather [hbm4b:s5+s3], $0x80, v3, vm0, $0xb8;
	[tilespmem:$0x1C980] =	vst v63  }
0x37: {  	v3 =	vld [tilespmem:$0x10];
	_ =	sdelay $0x4  }
0x38: {  	v58 =	vshll.u32 v3, $0x2  }
0x39: {  	v3 =	vand.u32 $0x7, v3;
	v4 =	vand.u32 $0xFFFFFFE0, v58  }
0x3a: {  	v3 =	vor.u32 v3, v4  }
0x3b: {  	v4 =	vperm.xlane v3, v0;
	_ =	sdelay $0x1  }
0x3c: {  	v4 =	vadd.s32 v1, v4;
	_ =	sdelay $0x1  }
0x3d: {  	v3 =	vperm.xlane v3, v2;
	_ =	sdelay $0x1  }
0x3e: {  	s23 =	simm.s32 $0x2980;
	v3 =	vadd.s32 v1, v3  }
0x3f: {  	[tilespmem:s23], [sflag:$0x1] =	stream.indirect_vreg.gather [hbm4b:s1+s3], $0x80, v4, vm0, $0xb8;
	[tilespmem:$0x1C980] =	vst v63  }
0x40: {  	s21 =	simm.s32 $0x3180  }
0x41: {  	[tilespmem:s21], [sflag:$0x1] =	stream.indirect_vreg.gather [hbm4b:s5+s3], $0x80, v4, vm0, $0xb8;
	[tilespmem:$0x1C980] =	vst v63  }
0x42: {  	s22 =	simm.s32 $0x3980  }
0x43: {  	[tilespmem:s22], [sflag:$0x1] =	stream.indirect_vreg.gather [hbm4b:s1+s3], $0x80, v3, vm0, $0xb8;
	[tilespmem:$0x1C980] =	vst v63  }
0x44: {  	s23 =	simm.s32 $0x4180  }
0x45: {  	[tilespmem:s23], [sflag:$0x1] =	stream.indirect_vreg.gather [hbm4b:s5+s3], $0x80, v3, vm0, $0xb8;
	[tilespmem:$0x1C980] =	vst v63  }
0x46: {  	v3 =	vld [tilespmem:$0x20];
	_ =	sdelay $0x4  }
0x47: {  	v59 =	vshll.u32 v3, $0x2  }
0x48: {  	v3 =	vand.u32 $0x7, v3;
	v4 =	vand.u32 $0xFFFFFFE0, v59  }
0x49: {  	v3 =	vor.u32 v3, v4  }
0x4a: {  	v4 =	vperm.xlane v3, v0;
	_ =	sdelay $0x1  }
0x4b: {  	v4 =	vadd.s32 v1, v4;
	_ =	sdelay $0x1  }
0x4c: {  	v3 =	vperm.xlane v3, v2;
	_ =	sdelay $0x1  }
0x4d: {  	s21 =	simm.s32 $0x4980;
	v3 =	vadd.s32 v1, v3  }
0x4e: {  	[tilespmem:s21], [sflag:$0x1] =	stream.indirect_vreg.gather [hbm4b:s1+s3], $0x80, v4, vm0, $0xb8;
	[tilespmem:$0x1C980] =	vst v63  }
0x4f: {  	s22 =	simm.s32 $0x5180  }
0x50: {  	[tilespmem:s22], [sflag:$0x1] =	stream.indirect_vreg.gather [hbm4b:s5+s3], $0x80, v4, vm0, $0xb8;
	[tilespmem:$0x1C980] =	vst v63  }
0x51: {  	s23 =	simm.s32 $0x5980  }
0x52: {  	[tilespmem:s23], [sflag:$0x1] =	stream.indirect_vreg.gather [hbm4b:s1+s3], $0x80, v3, vm0, $0xb8;
	[tilespmem:$0x1C980] =	vst v63  }
0x53: {  	s21 =	simm.s32 $0x6180  }
0x54: {  	[tilespmem:s21], [sflag:$0x1] =	stream.indirect_vreg.gather [hbm4b:s5+s3], $0x80, v3, vm0, $0xb8;
	[tilespmem:$0x1C980] =	vst v63  }
0x55: {  	v3 =	vld [tilespmem:$0x30];
	_ =	sdelay $0x4  }
0x56: {  	v60 =	vshll.u32 v3, $0x2  }
0x57: {  	v3 =	vand.u32 $0x7, v3;
	v4 =	vand.u32 $0xFFFFFFE0, v60  }
0x58: {  	v3 =	vor.u32 v3, v4  }
0x59: {  	v4 =	vperm.xlane v3, v0;
	_ =	sdelay $0x1  }
0x5a: {  	v4 =	vadd.s32 v1, v4;
	_ =	sdelay $0x1  }
0x5b: {  	v3 =	vperm.xlane v3, v2;
	_ =	sdelay $0x1  }
0x5c: {  	s22 =	simm.s32 $0x6980;
	v3 =	vadd.s32 v1, v3  }
0x5d: {  	[tilespmem:s22], [sflag:$0x1] =	stream.indirect_vreg.gather [hbm4b:s1+s3], $0x80, v4, vm0, $0xb8;
	[tilespmem:$0x1C980] =	vst v63  }
0x5e: {  	_ = 	snop  }
0x5f: {  	[tilespmem:s24], [sflag:$0x1] =	stream.indirect_vreg.gather [hbm4b:s5+s3], $0x80, v4, vm0, $0xb8;
	[tilespmem:$0x1C980] =	vst v63  }
0x60: {  	_ = 	snop  }
0x61: {  	[tilespmem:s25], [sflag:$0x1] =	stream.indirect_vreg.gather [hbm4b:s1+s3], $0x80, v3, vm0, $0xb8;
	[tilespmem:$0x1C980] =	vst v63  }
0x62: {  	_ = 	snop  }
0x63: {  	[tilespmem:s26], [sflag:$0x1] =	stream.indirect_vreg.gather [hbm4b:s5+s3], $0x80, v3, vm0, $0xb8;
	[tilespmem:$0x1C980] =	vst v63  }
0x64: {  	v3 =	vld [tilespmem:$0x40];
	_ =	sdelay $0x4  }
0x65: {  	v61 =	vshll.u32 v3, $0x2  }
0x66: {  	v3 =	vand.u32 $0x7, v3;
	v4 =	vand.u32 $0xFFFFFFE0, v61  }
0x67: {  	v3 =	vor.u32 v3, v4  }
0x68: {  	v4 =	vperm.xlane v3, v0;
	_ =	sdelay $0x1  }
0x69: {  	v4 =	vadd.s32 v1, v4;
	_ =	sdelay $0x1  }
0x6a: {  	v3 =	vperm.xlane v3, v2;
	_ =	sdelay $0x1  }
0x6b: {  	v3 =	vadd.s32 v1, v3  }
0x6c: {  	[tilespmem:s28], [sflag:$0x1] =	stream.indirect_vreg.gather [hbm4b:s1+s3], $0x80, v4, vm0, $0xb8;
	[tilespmem:$0x1C980] =	vst v63  }
0x6d: {  	_ = 	snop  }
0x6e: {  	[tilespmem:s29], [sflag:$0x1] =	stream.indirect_vreg.gather [hbm4b:s5+s3], $0x80, v4, vm0, $0xb8;
	[tilespmem:$0x1C980] =	vst v63  }
0x6f: {  	_ = 	snop  }
0x70: {  	[tilespmem:s30], [sflag:$0x1] =	stream.indirect_vreg.gather [hbm4b:s1+s3], $0x80, v3, vm0, $0xb8;
	[tilespmem:$0x1C980] =	vst v63  }
0x71: {  	_ = 	snop  }
0x72: {  	[tilespmem:s31], [sflag:$0x1] =	stream.indirect_vreg.gather [hbm4b:s5+s3], $0x80, v3, vm0, $0xb8;
	[tilespmem:$0x1C980] =	vst v63  }
0x73: {  	v3 =	vld [tilespmem:$0x50];
	_ =	sdelay $0x4  }
0x74: {  	v62 =	vshll.u32 v3, $0x2  }
0x75: {  	v3 =	vand.u32 $0x7, v3;
	v4 =	vand.u32 $0xFFFFFFE0, v62  }
0x76: {  	v3 =	vor.u32 v3, v4  }
0x77: {  	v4 =	vperm.xlane v3, v0;
	_ =	sdelay $0x1  }
0x78: {  	v4 =	vadd.s32 v1, v4;
	_ =	sdelay $0x1  }
0x79: {  	v3 =	vperm.xlane v3, v2;
	_ =	sdelay $0x1  }
0x7a: {  	v3 =	vadd.s32 v1, v3  }
0x7b: {  	[tilespmem:s2], [sflag:$0x1] =	stream.indirect_vreg.gather [hbm4b:s1+s3], $0x80, v4, vm0, $0xb8;
	[tilespmem:$0x1C980] =	vst v63  }
0x7c: {  	_ = 	snop  }
0x7d: {  	[tilespmem:s0], [sflag:$0x1] =	stream.indirect_vreg.gather [hbm4b:s5+s3], $0x80, v4, vm0, $0xb8;
	[tilespmem:$0x1C980] =	vst v63  }
0x7e: {  	_ = 	snop  }
0x7f: {  	[tilespmem:s4], [sflag:$0x1] =	stream.indirect_vreg.gather [hbm4b:s1+s3], $0x80, v3, vm0, $0xb8;
	[tilespmem:$0x1C980] =	vst v63  }
0x80: {  	_ = 	snop  }
0x81: {  	[tilespmem:s6], [sflag:$0x1] =	stream.indirect_vreg.gather [hbm4b:s5+s3], $0x80, v3, vm0, $0xb8;
	[tilespmem:$0x1C980] =	vst v63  }
0x82: {  	v3 =	vld [tilespmem:$0x60];
	_ =	sdelay $0x4  }
0x83: {  	v63 =	vshll.u32 v3, $0x2  }
0x84: {  	v3 =	vand.u32 $0x7, v3;
	v4 =	vand.u32 $0xFFFFFFE0, v63  }
0x85: {  	v3 =	vor.u32 v3, v4  }
0x86: {  	v4 =	vperm.xlane v3, v0;
	_ =	sdelay $0x1  }
0x87: {  	v4 =	vadd.s32 v1, v4;
	_ =	sdelay $0x1  }
0x88: {  	v3 =	vperm.xlane v3, v2;
	_ =	sdelay $0x1  }
0x89: {  	v3 =	vadd.s32 v1, v3  }
0x8a: {  	[tilespmem:s7], [sflag:$0x1] =	stream.indirect_vreg.gather [hbm4b:s1+s3], $0x80, v4, vm0, $0xb8;
	[tilespmem:$0x1C980] =	vst v63  }
0x8b: {  	_ = 	snop  }
0x8c: {  	[tilespmem:s8], [sflag:$0x1] =	stream.indirect_vreg.gather [hbm4b:s5+s3], $0x80, v4, vm0, $0xb8;
	[tilespmem:$0x1C980] =	vst v63  }
0x8d: {  	_ = 	snop  }
0x8e: {  	[tilespmem:s9], [sflag:$0x1] =	stream.indirect_vreg.gather [hbm4b:s1+s3], $0x80, v3, vm0, $0xb8;
	[tilespmem:$0x1C980] =	vst v63  }
0x8f: {  	_ = 	snop  }
0x90: {  	[tilespmem:s10], [sflag:$0x1] =	stream.indirect_vreg.gather [hbm4b:s5+s3], $0x80, v3, vm0, $0xb8;
	[tilespmem:$0x1C980] =	vst v63  }
.Ltmp2:
0x91: {  	s23 =	rddreg [dreg:$0x5];
	s21 =	simm.s32 $0x70;
	(pc) =	sbr.rel .LBB2_2-.Ltmp2, $4  }
0x92: {  	[tilespmem:s21], [sflag:$0x4] =	stream.linear.gather [hbm4b:s23+s3], $0x8F8, $0x38;
	[tilespmem:$0x1C980] =	vst v63  }
0x93: {  	_ =	swait.ge [sflag:s18], $0x8F8  }
0x94: {  	s21 =	simm.s32 $0xD0;
	[sflag:s18] =	ssyncset.done $0x0  }
0x95: {  	s22 =	rddreg [dreg:$0x8];
	[sflag:s18] =	ssyncadd.s32 $0xFFFFF708;
	s18 =	simm.s32 $0x0  }
.LBB2_7:
0x96: {  	_ =	swait.ge [sflag:s11], $0xE000  }
0x97: {  	[sflag:s11] =	ssyncset.done $0x0  }
0x98: {  	[sflag:s11] =	ssyncadd.s32 $0xFFFF2000  }
0x99: {  	v3 =	vld [tilespmem:s21+$0xFFFFFFA0];
	_ =	sdelay $0x4  }
0x9a: {  	v4 =	vshll.u32 v3, $0x2  }
0x9b: {  	v3 =	vand.u32 $0x7, v3;
	v4 =	vand.u32 $0xFFFFFFE0, v4  }
0x9c: {  	v3 =	vor.u32 v3, v4  }
0x9d: {  	v4 =	vperm.xlane v3, v0;
	_ =	sdelay $0x1  }
0x9e: {  	v4 =	vadd.s32 v1, v4;
	_ =	sdelay $0x1  }
0x9f: {  	v3 =	vperm.xlane v3, v2;
	_ =	sdelay $0x1  }
0xa0: {  	s15 =	simm.s32 $0x980;
	v3 =	vadd.s32 v1, v3  }
0xa1: {  	[tilespmem:s15], [sflag:$0x1] =	stream.indirect_vreg.gather [hbm4b:s1+s3], $0x80, v4, vm0, $0xb8;
	[tilespmem:$0x1C980] =	vst v63  }
0xa2: {  	s23 =	simm.s32 $0x1180  }
0xa3: {  	[tilespmem:s23], [sflag:$0x1] =	stream.indirect_vreg.gather [hbm4b:s5+s3], $0x80, v4, vm0, $0xb8;
	[tilespmem:$0x1C980] =	vst v63  }
0xa4: {  	s23 =	simm.s32 $0x1980  }
0xa5: {  	[tilespmem:s23], [sflag:$0x1] =	stream.indirect_vreg.gather [hbm4b:s1+s3], $0x80, v3, vm0, $0xb8;
	[tilespmem:$0x1C980] =	vst v63  }
0xa6: {  	s23 =	simm.s32 $0x2180  }
0xa7: {  	[tilespmem:s23], [sflag:$0x1] =	stream.indirect_vreg.gather [hbm4b:s5+s3], $0x80, v3, vm0, $0xb8;
	[tilespmem:$0x1C980] =	vst v63  }
0xa8: {  	v3 =	vld [tilespmem:s21+$0xFFFFFFB0];
	_ =	sdelay $0x4  }
0xa9: {  	v58 =	vshll.u32 v3, $0x2  }
0xaa: {  	v3 =	vand.u32 $0x7, v3;
	v4 =	vand.u32 $0xFFFFFFE0, v58  }
0xab: {  	v3 =	vor.u32 v3, v4  }
0xac: {  	v4 =	vperm.xlane v3, v0;
	_ =	sdelay $0x1  }
0xad: {  	v4 =	vadd.s32 v1, v4;
	_ =	sdelay $0x1  }
0xae: {  	v3 =	vperm.xlane v3, v2;
	_ =	sdelay $0x1  }
0xaf: {  	s23 =	simm.s32 $0x2980;
	v3 =	vadd.s32 v1, v3  }
0xb0: {  	[tilespmem:s23], [sflag:$0x1] =	stream.indirect_vreg.gather [hbm4b:s1+s3], $0x80, v4, vm0, $0xb8;
	[tilespmem:$0x1C980] =	vst v63  }
0xb1: {  	s23 =	simm.s32 $0x3180  }
0xb2: {  	[tilespmem:s23], [sflag:$0x1] =	stream.indirect_vreg.gather [hbm4b:s5+s3], $0x80, v4, vm0, $0xb8;
	[tilespmem:$0x1C980] =	vst v63  }
0xb3: {  	s23 =	simm.s32 $0x3980  }
0xb4: {  	[tilespmem:s23], [sflag:$0x1] =	stream.indirect_vreg.gather [hbm4b:s1+s3], $0x80, v3, vm0, $0xb8;
	[tilespmem:$0x1C980] =	vst v63  }
0xb5: {  	s23 =	simm.s32 $0x4180  }
0xb6: {  	[tilespmem:s23], [sflag:$0x1] =	stream.indirect_vreg.gather [hbm4b:s5+s3], $0x80, v3, vm0, $0xb8;
	[tilespmem:$0x1C980] =	vst v63  }
0xb7: {  	v3 =	vld [tilespmem:s21+$0xFFFFFFC0];
	_ =	sdelay $0x4  }
0xb8: {  	v59 =	vshll.u32 v3, $0x2  }
0xb9: {  	v3 =	vand.u32 $0x7, v3;
	v4 =	vand.u32 $0xFFFFFFE0, v59  }
0xba: {  	v3 =	vor.u32 v3, v4  }
0xbb: {  	v4 =	vperm.xlane v3, v0;
	_ =	sdelay $0x1  }
0xbc: {  	v4 =	vadd.s32 v1, v4;
	_ =	sdelay $0x1  }
0xbd: {  	v3 =	vperm.xlane v3, v2;
	_ =	sdelay $0x1  }
0xbe: {  	s23 =	simm.s32 $0x4980;
	v3 =	vadd.s32 v1, v3  }
0xbf: {  	[tilespmem:s23], [sflag:$0x1] =	stream.indirect_vreg.gather [hbm4b:s1+s3], $0x80, v4, vm0, $0xb8;
	[tilespmem:$0x1C980] =	vst v63  }
0xc0: {  	s23 =	simm.s32 $0x5180  }
0xc1: {  	[tilespmem:s23], [sflag:$0x1] =	stream.indirect_vreg.gather [hbm4b:s5+s3], $0x80, v4, vm0, $0xb8;
	[tilespmem:$0x1C980] =	vst v63  }
0xc2: {  	s23 =	simm.s32 $0x5980  }
0xc3: {  	[tilespmem:s23], [sflag:$0x1] =	stream.indirect_vreg.gather [hbm4b:s1+s3], $0x80, v3, vm0, $0xb8;
	[tilespmem:$0x1C980] =	vst v63  }
0xc4: {  	s23 =	simm.s32 $0x6180  }
0xc5: {  	[tilespmem:s23], [sflag:$0x1] =	stream.indirect_vreg.gather [hbm4b:s5+s3], $0x80, v3, vm0, $0xb8;
	[tilespmem:$0x1C980] =	vst v63  }
0xc6: {  	v3 =	vld [tilespmem:s21+$0xFFFFFFD0];
	_ =	sdelay $0x4  }
0xc7: {  	v60 =	vshll.u32 v3, $0x2  }
0xc8: {  	v3 =	vand.u32 $0x7, v3;
	v4 =	vand.u32 $0xFFFFFFE0, v60  }
0xc9: {  	v3 =	vor.u32 v3, v4  }
0xca: {  	v4 =	vperm.xlane v3, v0;
	_ =	sdelay $0x1  }
0xcb: {  	v4 =	vadd.s32 v1, v4;
	_ =	sdelay $0x1  }
0xcc: {  	v3 =	vperm.xlane v3, v2;
	_ =	sdelay $0x1  }
0xcd: {  	s23 =	simm.s32 $0x6980;
	v3 =	vadd.s32 v1, v3  }
0xce: {  	[tilespmem:s23], [sflag:$0x1] =	stream.indirect_vreg.gather [hbm4b:s1+s3], $0x80, v4, vm0, $0xb8;
	[tilespmem:$0x1C980] =	vst v63  }
0xcf: {  	_ = 	snop  }
0xd0: {  	[tilespmem:s24], [sflag:$0x1] =	stream.indirect_vreg.gather [hbm4b:s5+s3], $0x80, v4, vm0, $0xb8;
	[tilespmem:$0x1C980] =	vst v63  }
0xd1: {  	_ = 	snop  }
0xd2: {  	[tilespmem:s25], [sflag:$0x1] =	stream.indirect_vreg.gather [hbm4b:s1+s3], $0x80, v3, vm0, $0xb8;
	[tilespmem:$0x1C980] =	vst v63  }
0xd3: {  	_ = 	snop  }
0xd4: {  	[tilespmem:s26], [sflag:$0x1] =	stream.indirect_vreg.gather [hbm4b:s5+s3], $0x80, v3, vm0, $0xb8;
	[tilespmem:$0x1C980] =	vst v63  }
0xd5: {  	v3 =	vld [tilespmem:s21+$0xFFFFFFE0];
	_ =	sdelay $0x4  }
0xd6: {  	v61 =	vshll.u32 v3, $0x2  }
0xd7: {  	v3 =	vand.u32 $0x7, v3;
	v4 =	vand.u32 $0xFFFFFFE0, v61  }
0xd8: {  	v3 =	vor.u32 v3, v4  }
0xd9: {  	v4 =	vperm.xlane v3, v0;
	_ =	sdelay $0x1  }
0xda: {  	v4 =	vadd.s32 v1, v4;
	_ =	sdelay $0x1  }
0xdb: {  	v3 =	vperm.xlane v3, v2;
	_ =	sdelay $0x1  }
0xdc: {  	v3 =	vadd.s32 v1, v3  }
0xdd: {  	[tilespmem:s28], [sflag:$0x1] =	stream.indirect_vreg.gather [hbm4b:s1+s3], $0x80, v4, vm0, $0xb8;
	[tilespmem:$0x1C980] =	vst v63  }
0xde: {  	_ = 	snop  }
0xdf: {  	[tilespmem:s29], [sflag:$0x1] =	stream.indirect_vreg.gather [hbm4b:s5+s3], $0x80, v4, vm0, $0xb8;
	[tilespmem:$0x1C980] =	vst v63  }
0xe0: {  	_ = 	snop  }
0xe1: {  	[tilespmem:s30], [sflag:$0x1] =	stream.indirect_vreg.gather [hbm4b:s1+s3], $0x80, v3, vm0, $0xb8;
	[tilespmem:$0x1C980] =	vst v63  }
0xe2: {  	_ = 	snop  }
0xe3: {  	[tilespmem:s31], [sflag:$0x1] =	stream.indirect_vreg.gather [hbm4b:s5+s3], $0x80, v3, vm0, $0xb8;
	[tilespmem:$0x1C980] =	vst v63  }
0xe4: {  	v3 =	vld [tilespmem:s21+$0xFFFFFFF0];
	_ =	sdelay $0x4  }
0xe5: {  	v62 =	vshll.u32 v3, $0x2  }
0xe6: {  	v3 =	vand.u32 $0x7, v3;
	v4 =	vand.u32 $0xFFFFFFE0, v62  }
0xe7: {  	v3 =	vor.u32 v3, v4  }
0xe8: {  	v4 =	vperm.xlane v3, v0;
	_ =	sdelay $0x1  }
0xe9: {  	v4 =	vadd.s32 v1, v4;
	_ =	sdelay $0x1  }
0xea: {  	v3 =	vperm.xlane v3, v2;
	_ =	sdelay $0x1  }
0xeb: {  	v3 =	vadd.s32 v1, v3  }
0xec: {  	[tilespmem:s2], [sflag:$0x1] =	stream.indirect_vreg.gather [hbm4b:s1+s3], $0x80, v4, vm0, $0xb8;
	[tilespmem:$0x1C980] =	vst v63  }
0xed: {  	_ = 	snop  }
0xee: {  	[tilespmem:s0], [sflag:$0x1] =	stream.indirect_vreg.gather [hbm4b:s5+s3], $0x80, v4, vm0, $0xb8;
	[tilespmem:$0x1C980] =	vst v63  }
0xef: {  	_ = 	snop  }
0xf0: {  	[tilespmem:s4], [sflag:$0x1] =	stream.indirect_vreg.gather [hbm4b:s1+s3], $0x80, v3, vm0, $0xb8;
	[tilespmem:$0x1C980] =	vst v63  }
0xf1: {  	_ = 	snop  }
0xf2: {  	[tilespmem:s6], [sflag:$0x1] =	stream.indirect_vreg.gather [hbm4b:s5+s3], $0x80, v3, vm0, $0xb8;
	[tilespmem:$0x1C980] =	vst v63  }
0xf3: {  	v3 =	vld [tilespmem:s21+$0x0];
	_ =	sdelay $0x4  }
0xf4: {  	v63 =	vshll.u32 v3, $0x2  }
0xf5: {  	v3 =	vand.u32 $0x7, v3;
	v4 =	vand.u32 $0xFFFFFFE0, v63  }
0xf6: {  	v3 =	vor.u32 v3, v4  }
0xf7: {  	v4 =	vperm.xlane v3, v0;
	_ =	sdelay $0x1  }
0xf8: {  	v4 =	vadd.s32 v1, v4;
	_ =	sdelay $0x1  }
0xf9: {  	v3 =	vperm.xlane v3, v2;
	_ =	sdelay $0x1  }
0xfa: {  	v3 =	vadd.s32 v1, v3  }
0xfb: {  	[tilespmem:s7], [sflag:$0x1] =	stream.indirect_vreg.gather [hbm4b:s1+s3], $0x80, v4, vm0, $0xb8;
	[tilespmem:$0x1C980] =	vst v63  }
0xfc: {  	_ = 	snop  }
0xfd: {  	[tilespmem:s8], [sflag:$0x1] =	stream.indirect_vreg.gather [hbm4b:s5+s3], $0x80, v4, vm0, $0xb8;
	[tilespmem:$0x1C980] =	vst v63  }
0xfe: {  	_ = 	snop  }
0xff: {  	[tilespmem:s9], [sflag:$0x1] =	stream.indirect_vreg.gather [hbm4b:s1+s3], $0x80, v3, vm0, $0xb8;
	[tilespmem:$0x1C980] =	vst v63  }
0x100: {  	s15 =	simm.s32 $0xE980  }
0x101: {  	[tilespmem:s10], [sflag:$0x1] =	stream.indirect_vreg.gather [hbm4b:s5+s3], $0x80, v3, vm0, $0xb8;
	[tilespmem:$0x1C980] =	vst v63  }
.LBB2_8:
0x102: {  	s18 =	sadd.s32 $0x1, s18  }
0x103: {  	p0 =	sne.s32 s18, $0x15  }
.Ltmp3:
0x104: {  	_ = 	snop;
	(pc) =	sbr.rel @!p0 .LBB2_9-.Ltmp3, $4  }
0x105: {  	[hbm4b:s22+s3] =	stream.linear.scatter [tilespmem:s15], [sflag:$0x3], $0xE000, $0x38;
	[tilespmem:$0x1C980] =	vst v63  }
0x106: {  	_ =	swait.ge [sflag:s12], $0xE000  }
0x107: {  	[sflag:s12] =	ssyncset.done $0x0  }
0x108: {  	s22 =	sadd.s32 $0x1C00, s22;
	s21 =	sadd.s32 $0x70, s21;
	[sflag:s12] =	ssyncadd.s32 $0xFFFF2000  }
.LBB2_2:
0x109: {  	s15 =	sand.u32 $0x1, s18  }
0x10a: {  	p0 =	seq.s32 s15, $0x1  }
.Ltmp4:
0x10b: {  	_ = 	snop;
	(pc) =	sbr.rel @p0 .LBB2_7-.Ltmp4, $1  }
0x10c: {  	_ =	sdelay $0x3  }
0x10d: {  	p0 =	seq.s32 s18, $0x14  }
.Ltmp5:
0x10e: {  	_ = 	snop;
	(pc) =	sbr.rel @!p0 .LBB2_4-.Ltmp5, $4  }
0x10f: {  	_ = 	snop  }
0x110: {  	_ =	swait.ge [sflag:s14], $0xE000  }
0x111: {  	[sflag:s14] =	ssyncset.done $0x0  }
0x112: {  	[sflag:s14] =	ssyncadd.s32 $0xFFFF2000  }
0x113: {  	v3 =	vld [tilespmem:$0x930];
	_ =	sdelay $0x4  }
0x114: {  	v4 =	vshll.u32 v3, $0x2  }
0x115: {  	v3 =	vand.u32 $0x7, v3;
	v4 =	vand.u32 $0xFFFFFFE0, v4  }
0x116: {  	v3 =	vor.u32 v3, v4  }
0x117: {  	v4 =	vperm.xlane v3, v0;
	_ =	sdelay $0x1  }
0x118: {  	v4 =	vadd.s32 v1, v4;
	_ =	sdelay $0x1  }
0x119: {  	v3 =	vperm.xlane v3, v2;
	_ =	sdelay $0x1  }
0x11a: {  	v3 =	vadd.s32 v1, v3  }
0x11b: {  	[tilespmem:s13], [sflag:$0x2] =	stream.indirect_vreg.gather [hbm4b:s1+s3], $0x80, v4, vm0, $0xb8;
	[tilespmem:$0x1C980] =	vst v63  }
0x11c: {  	s15 =	simm.s32 $0xF180  }
0x11d: {  	[tilespmem:s15], [sflag:$0x2] =	stream.indirect_vreg.gather [hbm4b:s5+s3], $0x80, v4, vm0, $0xb8;
	[tilespmem:$0x1C980] =	vst v63  }
0x11e: {  	s23 =	simm.s32 $0xF980  }
0x11f: {  	[tilespmem:s23], [sflag:$0x2] =	stream.indirect_vreg.gather [hbm4b:s1+s3], $0x80, v3, vm0, $0xb8;
	[tilespmem:$0x1C980] =	vst v63  }
0x120: {  	s23 =	simm.s32 $0x10180  }
0x121: {  	[tilespmem:s23], [sflag:$0x2] =	stream.indirect_vreg.gather [hbm4b:s5+s3], $0x80, v3, vm0, $0xb8;
	[tilespmem:$0x1C980] =	vst v63  }
0x122: {  	v3 =	vld [tilespmem:$0x940];
	_ =	sdelay $0x4  }
0x123: {  	v4 =	vshll.u32 v3, $0x2  }
0x124: {  	v3 =	vand.u32 $0x7, v3;
	v4 =	vand.u32 $0xFFFFFFE0, v4  }
0x125: {  	v3 =	vor.u32 v3, v4  }
0x126: {  	v4 =	vperm.xlane v3, v0;
	_ =	sdelay $0x1  }
0x127: {  	v4 =	vadd.s32 v1, v4;
	_ =	sdelay $0x1  }
0x128: {  	v3 =	vperm.xlane v3, v2;
	_ =	sdelay $0x1  }
0x129: {  	s23 =	simm.s32 $0x10980;
	v3 =	vadd.s32 v1, v3  }
0x12a: {  	[tilespmem:s23], [sflag:$0x2] =	stream.indirect_vreg.gather [hbm4b:s1+s3], $0x80, v4, vm0, $0xb8;
	[tilespmem:$0x1C980] =	vst v63  }
0x12b: {  	s23 =	simm.s32 $0x11180  }
0x12c: {  	[tilespmem:s23], [sflag:$0x2] =	stream.indirect_vreg.gather [hbm4b:s5+s3], $0x80, v4, vm0, $0xb8;
	[tilespmem:$0x1C980] =	vst v63  }
0x12d: {  	s23 =	simm.s32 $0x11980  }
0x12e: {  	[tilespmem:s23], [sflag:$0x2] =	stream.indirect_vreg.gather [hbm4b:s1+s3], $0x80, v3, vm0, $0xb8;
	[tilespmem:$0x1C980] =	vst v63  }
0x12f: {  	s23 =	simm.s32 $0x12180  }
0x130: {  	[tilespmem:s23], [sflag:$0x2] =	stream.indirect_vreg.gather [hbm4b:s5+s3], $0x80, v3, vm0, $0xb8;
	[tilespmem:$0x1C980] =	vst v63  }
0x131: {  	v3 =	vld [tilespmem:$0x950];
	_ =	sdelay $0x4  }
0x132: {  	v4 =	vshll.u32 v3, $0x2  }
0x133: {  	v3 =	vand.u32 $0x7, v3;
	v4 =	vand.u32 $0xFFFFFFE0, v4  }
0x134: {  	v3 =	vor.u32 v3, v4  }
0x135: {  	v4 =	vperm.xlane v3, v0;
	_ =	sdelay $0x1  }
0x136: {  	v4 =	vadd.s32 v1, v4;
	_ =	sdelay $0x1  }
0x137: {  	v3 =	vperm.xlane v3, v2;
	_ =	sdelay $0x1  }
0x138: {  	v3 =	vadd.s32 v1, v3  }
0x139: {  	[tilespmem:s19], [sflag:$0x2] =	stream.indirect_vreg.gather [hbm4b:s1+s3], $0x80, v4, vm0, $0xb8;
	[tilespmem:$0x1C980] =	vst v63  }
0x13a: {  	_ = 	snop  }
0x13b: {  	[tilespmem:s17], [sflag:$0x2] =	stream.indirect_vreg.gather [hbm4b:s5+s3], $0x80, v4, vm0, $0xb8;
	[tilespmem:$0x1C980] =	vst v63  }
0x13c: {  	_ = 	snop  }
0x13d: {  	[tilespmem:s20], [sflag:$0x2] =	stream.indirect_vreg.gather [hbm4b:s1+s3], $0x80, v3, vm0, $0xb8;
	[tilespmem:$0x1C980] =	vst v63  }
0x13e: {  	_ = 	snop  }
0x13f: {  	[tilespmem:s16], [sflag:$0x2] =	stream.indirect_vreg.gather [hbm4b:s5+s3], $0x80, v3, vm0, $0xb8;
	[tilespmem:$0x1C980] =	vst v63  }
0x140: {  	v3 =	vld.msk [tilespmem:$0x960], $0xff;
	_ =	sdelay $0x3  }
.Ltmp6:
0x141: {  	_ = 	snop;
	(pc) =	sbr.rel .LBB2_6-.Ltmp6, $4  }
0x142: {  	v4 =	vshll.u32 v3, $0x2  }
0x143: {  	v3 =	vand.u32 $0x7, v3;
	v4 =	vand.u32 $0xFFFFFFE0, v4  }
0x144: {  	v3 =	vor.u32 v3, v4  }
0x145: {  	s15 =	simm.s32 $0x14980;
	s23 =	simm.s32 $0x15180;
	v3 =	vperm.xlane v3, v0  }
.LBB2_4:
0x146: {  	v3 =	vld [tilespmem:s21+$0xFFFFFFA0];
	_ =	sdelay $0x4  }
0x147: {  	v4 =	vshll.u32 v3, $0x2  }
0x148: {  	v3 =	vand.u32 $0x7, v3;
	v4 =	vand.u32 $0xFFFFFFE0, v4  }
0x149: {  	v3 =	vor.u32 v3, v4  }
0x14a: {  	v4 =	vperm.xlane v3, v0;
	_ =	sdelay $0x1  }
0x14b: {  	v4 =	vadd.s32 v1, v4;
	_ =	sdelay $0x1  }
0x14c: {  	v3 =	vperm.xlane v3, v2;
	_ =	sdelay $0x1  }
0x14d: {  	v3 =	vadd.s32 v1, v3  }
0x14e: {  	[tilespmem:s13], [sflag:$0x2] =	stream.indirect_vreg.gather [hbm4b:s1+s3], $0x80, v4, vm0, $0xb8;
	[tilespmem:$0x1C980] =	vst v63  }
0x14f: {  	s15 =	simm.s32 $0xF180  }
0x150: {  	[tilespmem:s15], [sflag:$0x2] =	stream.indirect_vreg.gather [hbm4b:s5+s3], $0x80, v4, vm0, $0xb8;
	[tilespmem:$0x1C980] =	vst v63  }
0x151: {  	s23 =	simm.s32 $0xF980  }
0x152: {  	[tilespmem:s23], [sflag:$0x2] =	stream.indirect_vreg.gather [hbm4b:s1+s3], $0x80, v3, vm0, $0xb8;
	[tilespmem:$0x1C980] =	vst v63  }
0x153: {  	s23 =	simm.s32 $0x10180  }
0x154: {  	[tilespmem:s23], [sflag:$0x2] =	stream.indirect_vreg.gather [hbm4b:s5+s3], $0x80, v3, vm0, $0xb8;
	[tilespmem:$0x1C980] =	vst v63  }
0x155: {  	v3 =	vld [tilespmem:s21+$0xFFFFFFB0];
	_ =	sdelay $0x4  }
0x156: {  	v4 =	vshll.u32 v3, $0x2  }
0x157: {  	v3 =	vand.u32 $0x7, v3;
	v4 =	vand.u32 $0xFFFFFFE0, v4  }
0x158: {  	v3 =	vor.u32 v3, v4  }
0x159: {  	v4 =	vperm.xlane v3, v0;
	_ =	sdelay $0x1  }
0x15a: {  	v4 =	vadd.s32 v1, v4;
	_ =	sdelay $0x1  }
0x15b: {  	v3 =	vperm.xlane v3, v2;
	_ =	sdelay $0x1  }
0x15c: {  	s23 =	simm.s32 $0x10980;
	v3 =	vadd.s32 v1, v3  }
0x15d: {  	[tilespmem:s23], [sflag:$0x2] =	stream.indirect_vreg.gather [hbm4b:s1+s3], $0x80, v4, vm0, $0xb8;
	[tilespmem:$0x1C980] =	vst v63  }
0x15e: {  	s23 =	simm.s32 $0x11180  }
0x15f: {  	[tilespmem:s23], [sflag:$0x2] =	stream.indirect_vreg.gather [hbm4b:s5+s3], $0x80, v4, vm0, $0xb8;
	[tilespmem:$0x1C980] =	vst v63  }
0x160: {  	s23 =	simm.s32 $0x11980  }
0x161: {  	[tilespmem:s23], [sflag:$0x2] =	stream.indirect_vreg.gather [hbm4b:s1+s3], $0x80, v3, vm0, $0xb8;
	[tilespmem:$0x1C980] =	vst v63  }
0x162: {  	s23 =	simm.s32 $0x12180  }
0x163: {  	[tilespmem:s23], [sflag:$0x2] =	stream.indirect_vreg.gather [hbm4b:s5+s3], $0x80, v3, vm0, $0xb8;
	[tilespmem:$0x1C980] =	vst v63  }
0x164: {  	v3 =	vld [tilespmem:s21+$0xFFFFFFC0];
	_ =	sdelay $0x4  }
0x165: {  	v4 =	vshll.u32 v3, $0x2  }
0x166: {  	v3 =	vand.u32 $0x7, v3;
	v4 =	vand.u32 $0xFFFFFFE0, v4  }
0x167: {  	v3 =	vor.u32 v3, v4  }
0x168: {  	v4 =	vperm.xlane v3, v0;
	_ =	sdelay $0x1  }
0x169: {  	v4 =	vadd.s32 v1, v4;
	_ =	sdelay $0x1  }
0x16a: {  	v3 =	vperm.xlane v3, v2;
	_ =	sdelay $0x1  }
0x16b: {  	v3 =	vadd.s32 v1, v3  }
0x16c: {  	[tilespmem:s19], [sflag:$0x2] =	stream.indirect_vreg.gather [hbm4b:s1+s3], $0x80, v4, vm0, $0xb8;
	[tilespmem:$0x1C980] =	vst v63  }
0x16d: {  	_ = 	snop  }
0x16e: {  	[tilespmem:s17], [sflag:$0x2] =	stream.indirect_vreg.gather [hbm4b:s5+s3], $0x80, v4, vm0, $0xb8;
	[tilespmem:$0x1C980] =	vst v63  }
0x16f: {  	_ = 	snop  }
0x170: {  	[tilespmem:s20], [sflag:$0x2] =	stream.indirect_vreg.gather [hbm4b:s1+s3], $0x80, v3, vm0, $0xb8;
	[tilespmem:$0x1C980] =	vst v63  }
0x171: {  	_ = 	snop  }
0x172: {  	[tilespmem:s16], [sflag:$0x2] =	stream.indirect_vreg.gather [hbm4b:s5+s3], $0x80, v3, vm0, $0xb8;
	[tilespmem:$0x1C980] =	vst v63  }
0x173: {  	v3 =	vld [tilespmem:s21+$0xFFFFFFD0];
	_ =	sdelay $0x4  }
0x174: {  	v4 =	vshll.u32 v3, $0x2  }
0x175: {  	v3 =	vand.u32 $0x7, v3;
	v4 =	vand.u32 $0xFFFFFFE0, v4  }
0x176: {  	v3 =	vor.u32 v3, v4  }
0x177: {  	v4 =	vperm.xlane v3, v0;
	_ =	sdelay $0x1  }
0x178: {  	v4 =	vadd.s32 v1, v4;
	_ =	sdelay $0x1  }
0x179: {  	v3 =	vperm.xlane v3, v2;
	_ =	sdelay $0x1  }
0x17a: {  	s23 =	simm.s32 $0x14980;
	v3 =	vadd.s32 v1, v3  }
0x17b: {  	[tilespmem:s23], [sflag:$0x2] =	stream.indirect_vreg.gather [hbm4b:s1+s3], $0x80, v4, vm0, $0xb8;
	[tilespmem:$0x1C980] =	vst v63  }
0x17c: {  	s23 =	simm.s32 $0x15180  }
0x17d: {  	[tilespmem:s23], [sflag:$0x2] =	stream.indirect_vreg.gather [hbm4b:s5+s3], $0x80, v4, vm0, $0xb8;
	[tilespmem:$0x1C980] =	vst v63  }
0x17e: {  	s23 =	simm.s32 $0x15980  }
0x17f: {  	[tilespmem:s23], [sflag:$0x2] =	stream.indirect_vreg.gather [hbm4b:s1+s3], $0x80, v3, vm0, $0xb8;
	[tilespmem:$0x1C980] =	vst v63  }
0x180: {  	s23 =	simm.s32 $0x16180  }
0x181: {  	[tilespmem:s23], [sflag:$0x2] =	stream.indirect_vreg.gather [hbm4b:s5+s3], $0x80, v3, vm0, $0xb8;
	[tilespmem:$0x1C980] =	vst v63  }
0x182: {  	v3 =	vld [tilespmem:s21+$0xFFFFFFE0];
	_ =	sdelay $0x4  }
0x183: {  	v4 =	vshll.u32 v3, $0x2  }
0x184: {  	v3 =	vand.u32 $0x7, v3;
	v4 =	vand.u32 $0xFFFFFFE0, v4  }
0x185: {  	v3 =	vor.u32 v3, v4  }
0x186: {  	v4 =	vperm.xlane v3, v0;
	_ =	sdelay $0x1  }
0x187: {  	v4 =	vadd.s32 v1, v4;
	_ =	sdelay $0x1  }
0x188: {  	v3 =	vperm.xlane v3, v2;
	_ =	sdelay $0x1  }
0x189: {  	s23 =	simm.s32 $0x16980;
	v3 =	vadd.s32 v1, v3  }
0x18a: {  	[tilespmem:s23], [sflag:$0x2] =	stream.indirect_vreg.gather [hbm4b:s1+s3], $0x80, v4, vm0, $0xb8;
	[tilespmem:$0x1C980] =	vst v63  }
0x18b: {  	s23 =	simm.s32 $0x17180  }
0x18c: {  	[tilespmem:s23], [sflag:$0x2] =	stream.indirect_vreg.gather [hbm4b:s5+s3], $0x80, v4, vm0, $0xb8;
	[tilespmem:$0x1C980] =	vst v63  }
0x18d: {  	s23 =	simm.s32 $0x17980  }
0x18e: {  	[tilespmem:s23], [sflag:$0x2] =	stream.indirect_vreg.gather [hbm4b:s1+s3], $0x80, v3, vm0, $0xb8;
	[tilespmem:$0x1C980] =	vst v63  }
0x18f: {  	s23 =	simm.s32 $0x18180  }
0x190: {  	[tilespmem:s23], [sflag:$0x2] =	stream.indirect_vreg.gather [hbm4b:s5+s3], $0x80, v3, vm0, $0xb8;
	[tilespmem:$0x1C980] =	vst v63  }
0x191: {  	v3 =	vld [tilespmem:s21+$0xFFFFFFF0];
	_ =	sdelay $0x4  }
0x192: {  	v4 =	vshll.u32 v3, $0x2  }
0x193: {  	v3 =	vand.u32 $0x7, v3;
	v4 =	vand.u32 $0xFFFFFFE0, v4  }
0x194: {  	v3 =	vor.u32 v3, v4  }
0x195: {  	v4 =	vperm.xlane v3, v0;
	_ =	sdelay $0x1  }
0x196: {  	v4 =	vadd.s32 v1, v4;
	_ =	sdelay $0x1  }
0x197: {  	v3 =	vperm.xlane v3, v2;
	_ =	sdelay $0x1  }
0x198: {  	s23 =	simm.s32 $0x18980;
	v3 =	vadd.s32 v1, v3  }
0x199: {  	[tilespmem:s23], [sflag:$0x2] =	stream.indirect_vreg.gather [hbm4b:s1+s3], $0x80, v4, vm0, $0xb8;
	[tilespmem:$0x1C980] =	vst v63  }
0x19a: {  	s23 =	simm.s32 $0x19180  }
0x19b: {  	[tilespmem:s23], [sflag:$0x2] =	stream.indirect_vreg.gather [hbm4b:s5+s3], $0x80, v4, vm0, $0xb8;
	[tilespmem:$0x1C980] =	vst v63  }
0x19c: {  	s23 =	simm.s32 $0x19980  }
0x19d: {  	[tilespmem:s23], [sflag:$0x2] =	stream.indirect_vreg.gather [hbm4b:s1+s3], $0x80, v3, vm0, $0xb8;
	[tilespmem:$0x1C980] =	vst v63  }
0x19e: {  	s23 =	simm.s32 $0x1A180  }
0x19f: {  	[tilespmem:s23], [sflag:$0x2] =	stream.indirect_vreg.gather [hbm4b:s5+s3], $0x80, v3, vm0, $0xb8;
	[tilespmem:$0x1C980] =	vst v63  }
0x1a0: {  	v3 =	vld [tilespmem:s21+$0x0];
	_ =	sdelay $0x4  }
0x1a1: {  	v4 =	vshll.u32 v3, $0x2  }
0x1a2: {  	v3 =	vand.u32 $0x7, v3;
	v4 =	vand.u32 $0xFFFFFFE0, v4  }
0x1a3: {  	v3 =	vor.u32 v3, v4  }
0x1a4: {  	v4 =	vperm.xlane v3, v0;
	_ =	sdelay $0x1  }
0x1a5: {  	v4 =	vadd.s32 v1, v4;
	_ =	sdelay $0x3  }
0x1a6: {  	s23 =	simm.s32 $0x1A980  }
0x1a7: {  	[tilespmem:s23], [sflag:$0x2] =	stream.indirect_vreg.gather [hbm4b:s1+s3], $0x80, v4, vm0, $0xb8;
	[tilespmem:$0x1C980] =	vst v63  }
0x1a8: {  	s23 =	simm.s32 $0x1B180  }
0x1a9: {  	[tilespmem:s23], [sflag:$0x2] =	stream.indirect_vreg.gather [hbm4b:s5+s3], $0x80, v4, vm0, $0xb8;
	[tilespmem:$0x1C980] =	vst v63  }
0x1aa: {  	s15 =	simm.s32 $0x1B980;
	v3 =	vperm.xlane v3, v2;
	s23 =	simm.s32 $0x1C180  }
.LBB2_6:
0x1ab: {  	_ = 	snop  }
0x1ac: {  	v3 =	vadd.s32 v1, v3;
	_ =	sdelay $0x2  }
.Ltmp7:
0x1ad: {  	_ = 	snop;
	(pc) =	sbr.rel .LBB2_8-.Ltmp7, $4  }
0x1ae: {  	_ = 	snop  }
0x1af: {  	[tilespmem:s15], [sflag:$0x2] =	stream.indirect_vreg.gather [hbm4b:s1+s3], $0x80, v3, vm0, $0xb8;
	[tilespmem:$0x1C980] =	vst v63  }
0x1b0: {  	s15 =	simm.s32 $0x980  }
0x1b1: {  	[tilespmem:s23], [sflag:$0x2] =	stream.indirect_vreg.gather [hbm4b:s5+s3], $0x80, v3, vm0, $0xb8;
	[tilespmem:$0x1C980] =	vst v63  }
.LBB2_10:
0x1b2: {  	_ =	sfence.sel $0x180000  }
0x1b3: {  	[bflag:$0x0] =	sbarrier.arrive $0xFFFF  }
0x1b4: {  	_ =	strace $0x90000047  }
0x1b5: {  	s0 =	stileid.u32;
	[bflag:$0x2] =	sbarrier.arrive $0xFFFF  }
0x1b6: {  	p0 =	sne.s32 s0, $0x0;
	s0 =	rddreg [dreg:$0x3]  }
0x1b7: {  	s0 =	sadd.s32 @!p0 $0x100000, s0  }
0x1b8: {  	[sflag:s0] =	ssyncadd.tile.s32 @!p0 $0x1;
	_ =	shalt  }
.Lfunc_end2:
_tile_overlayer_lowered:
.L_overlay_start_2:
0x1b9: {  	(tag) =	ssettag $0x2  }
0x1ba: {  	s0 =	rddreg [dreg:$0x0];
	s2 =	stileid.u32  }
0x1bb: {  	s1 =	rddreg [dreg:$0x1];
	p0 =	sne.s32 s2, $0x0  }
0x1bc: {  	s3 =	rddreg [dreg:$0x2];
	[bflag:$0x3] =	sbarrier.arrive $0xFFFF;
	s2 =	simm.s32 @!p0 $0x1C04  }
0x1bd: {  	[timem:s3], [sflag:s2] =	dma.local @!p0 [hbm:s0], s1  }
0x1be: {  	s0 =	simm.s32 @!p0 $0x4  }
0x1bf: {  	_ =	swait.ge @!p0 [sflag:s0], s1  }
0x1c0: {  	s1 =	ssub.s32 @!p0 $0x0, s1;
	[sflag:s0] =	ssyncset.done @!p0 $0x0  }
0x1c1: {  	[sflag:s0] =	ssyncadd.s32 @!p0 s1  }
0x1c2: {  	[bflag:$0x3] =	sbarrier.arrive $0xFFFF  }
0x1c3: {  	_ =	shalt  }

</sc_bundles>
